<compile_context>
chip_gen: v7x
topology: tpu7x:2x2x1
jax: 0.10.2.dev20260603
libtpu: 0.0.44.dev20260713+nightly
codegen_flags: <defaults>
</compile_context>

<pallas_src>
import functools

import jax
import jax.numpy as jnp
from jax import lax
from jax.experimental import pallas as pl
from jax.experimental.pallas import tpu as pltpu
from jax.experimental.pallas import tpu_sc as plsc

_VOCAB = 100000
_EMB = 64
_BATCH = 1024
_CTX = 20

_NC = 2
_NS = 16
_NW = _NC * _NS
_BPW = _BATCH // _NW
_GPW = _BPW * _CTX
_CHUNK = 128
_NCHUNK = _GPW // _CHUNK

_VT = 12800
_NV = -(-_VOCAB // _VT)
_MT = 512
_NB = _BATCH // _MT


@functools.cache
def _build_gather_mean():
    @functools.partial(
        pl.kernel,
        out_type=jax.ShapeDtypeStruct((_BATCH, _EMB), jnp.float32),
        mesh=plsc.VectorSubcoreMesh(
            core_axis_name="c", subcore_axis_name="s",
            num_cores=_NC, num_subcores=_NS,
        ),
        scratch_types=[
            pltpu.VMEM((_NCHUNK, _CHUNK), jnp.int32),
            pltpu.VMEM((_GPW, _EMB), jnp.float32),
            pltpu.VMEM((_BPW, _EMB), jnp.float32),
            pltpu.SemaphoreType.DMA,
        ],
        compiler_params=pltpu.CompilerParams(use_tc_tiling_on_sc=False),
    )
    def _gather_mean(idx_hbm, table_hbm, out_hbm, idx_v, rows_v, acc_v, sem):
        wid = lax.axis_index("s") * _NC + lax.axis_index("c")
        pltpu.sync_copy(idx_hbm.at[wid], idx_v)
        copies = [
            pltpu.async_copy(
                table_hbm.at[idx_v.at[j]],
                rows_v.at[pl.ds(j * _CHUNK, _CHUNK)],
                sem,
            )
            for j in range(_NCHUNK)
        ]
        for c in copies:
            c.wait()

        inv = jnp.float32(1.0 / _CTX)

        def body(b, carry):
            for d in range(_EMB // 16):
                sl = pl.ds(d * 16, 16)
                acc = rows_v[b * _CTX, sl]
                for l in range(1, _CTX):
                    acc = acc + rows_v[b * _CTX + l, sl]
                acc_v[b, sl] = acc * inv
            return carry

        lax.fori_loop(0, _BPW, body, jnp.int32(0))
        pltpu.sync_copy(acc_v, out_hbm.at[pl.ds(wid * _BPW, _BPW)])

    return _gather_mean


_KD = _EMB + 1
_MR = 32
_NR = _BATCH // _MR


def _p1_body(a_ref, w_ref, s_ref):
    e = jnp.exp2(
        jnp.dot(a_ref[...], w_ref[...], preferred_element_type=jnp.float32)
    )
    s_ref[...] = jnp.sum(e, axis=1, keepdims=True)


_sumexp = pl.pallas_call(
    _p1_body,
    grid=(_NR,),
    in_specs=[
        pl.BlockSpec((_MR, _KD), lambda i: (i, 0)),
        pl.BlockSpec((_KD, _VOCAB), lambda i: (0, 0)),
    ],
    out_specs=pl.BlockSpec((_MR, 1), lambda i: (i, 0)),
    out_shape=jax.ShapeDtypeStruct((_BATCH, 1), jnp.float32),
)


def _p2_body(a_ref, w_ref, s_ref, out_ref):
    c = -jnp.log2(s_ref[...])
    t = jnp.dot(a_ref[...], w_ref[...], preferred_element_type=jnp.float32)
    out_ref[...] = jnp.exp2(t + c)


_writeout = pl.pallas_call(
    _p2_body,
    grid=(_NR,),
    in_specs=[
        pl.BlockSpec((_MR, _KD), lambda i: (i, 0)),
        pl.BlockSpec((_KD, _VOCAB), lambda i: (0, 0)),
        pl.BlockSpec((_MR, 1), lambda i: (i, 0)),
    ],
    out_specs=pl.BlockSpec((_MR, _VOCAB), lambda i: (i, 0)),
    out_shape=jax.ShapeDtypeStruct((_BATCH, _VOCAB), jnp.float32),
)

_LOG2E = 1.4426950408889634


def kernel(inputs, table, W, b):
    idx = inputs.astype(jnp.int32).reshape(_NW, _NCHUNK, _CHUNK)
    avg = _build_gather_mean()(idx, table)
    a2 = jnp.concatenate(
        [avg * _LOG2E, jnp.ones((_BATCH, 1), jnp.float32)], axis=1
    ).astype(jnp.bfloat16)
    w2 = jnp.concatenate(
        [W, (b * _LOG2E)[None, :]], axis=0
    ).astype(jnp.bfloat16)
    s = _sumexp(a2, w2)
    return _writeout(a2, w2, s)

# --- scband reference (transcript-rebuilt; emitter-appended) ---
"""Pipeline reference for scband-cbowmodel-55705725829168 (READ-ONLY COPY).

The authoritative reference and input builder live on the scoring server;
editing this copy changes nothing except your own understanding.
"""

import jax, jax.numpy as jnp
import numpy as np

VOCAB = 100000
EMB = 64
BATCH = 1024
CTX = 20

def setup_inputs(seed: int = 0) -> dict:
    key = jax.random.key(seed)
    k1, k2, k3 = jax.random.split(key, 3)
    inputs = jax.random.randint(k1, (BATCH, CTX), 0, VOCAB, dtype=jnp.int64 if jax.config.jax_enable_x64 else jnp.int32)
    table = jax.random.normal(k2, (VOCAB, EMB), dtype=jnp.float32) * 0.05
    W = jax.random.normal(k3, (EMB, VOCAB), dtype=jnp.float32) * 0.05
    b = jnp.zeros((VOCAB,), dtype=jnp.float32)
    return {"inputs": inputs, "table": table, "W": W, "b": b}

def reference(inputs, table, W, b):
    # Embedding lookup (gather): [B, L, D]
    embedded = jnp.take(table, inputs, axis=0)
    # Mean over context window: [B, D]
    avg_embedding = jnp.mean(embedded, axis=1)
    # Dense projection to vocab + softmax: [B, V]
    logits = avg_embedding @ W + b
    return jax.nn.softmax(logits, axis=-1)

if __name__ == "__main__":
    import jax
    _d = setup_inputs()
    print(jax.jit(kernel)(*tuple(_d.values())))

</pallas_src>

<mosaic_0001>
#map = affine_map<(d0, d1) -> (0, 0, 0)>
#map1 = affine_map<(d0, d1) -> (0, 0)>
module attributes {stable_mosaic.version = 14 : i64} {
  func.func @_gather_mean(%arg0: i32, %arg1: i32, %arg2: memref<32x5x128xi32, #tpu.memory_space<hbm>>, %arg3: memref<100000x64xf32, #tpu.memory_space<hbm>>, %arg4: memref<1024x64xf32, #tpu.memory_space<hbm>>, %arg5: memref<5x128xi32, #tpu.memory_space<vmem>>, %arg6: memref<640x64xf32, #tpu.memory_space<vmem>>, %arg7: memref<32x64xf32, #tpu.memory_space<vmem>>, %arg8: memref<!tpu.dma_semaphore, #tpu.memory_space<semaphore_mem>>) attributes {dimension_semantics = [#tpu.dimension_semantics<core_parallel>, #tpu.dimension_semantics<subcore_parallel>], iteration_bounds = array<i64: 2, 16>, scalar_prefetch = 0 : i64, scratch_operands = 4 : i64, tpu.core_type = #tpu.core_type<sc_vector_subcore>, window_params = [{transform_indices = #map}, {transform_indices = #map1}, {transform_indices = #map1}]} {
    %mul3A = arith.constant 2 : i32
    %mul3A_0 = arith.muli %arg1, %mul3A : i32
    %add3A = arith.addi %mul3A_0, %arg0 : i32
    "tpu.region"() ({
      %run_scoped3A = tpu.sem_alloc : memref<!tpu.dma_semaphore, #tpu.memory_space<semaphore_mem>>
      %dma_start3A_107 = arith.constant 0 : i32
      %dma_start3A_108 = arith.constant 0 : i32
      %dma_start3A_109 = tpu.memref_slice %arg2[%add3A, %dma_start3A_107, %dma_start3A_108] : memref<32x5x128xi32, #tpu.memory_space<hbm>> -> memref<1x5x128xi32, #tpu.memory_space<hbm>>
      %dma_start3A_110 = tpu.memref_squeeze %dma_start3A_109 : memref<1x5x128xi32, #tpu.memory_space<hbm>> -> memref<5x128xi32, #tpu.memory_space<hbm>>
      %dma_start3A_111 = arith.constant 0 : i32
      %dma_start3A_112 = arith.constant 0 : i32
      %dma_start3A_113 = tpu.memref_slice %arg2[%add3A, %dma_start3A_111, %dma_start3A_112] : memref<32x5x128xi32, #tpu.memory_space<hbm>> -> memref<1x5x128xi32, #tpu.memory_space<hbm>>
      %dma_start3A_114 = tpu.memref_squeeze %dma_start3A_113 : memref<1x5x128xi32, #tpu.memory_space<hbm>> -> memref<5x128xi32, #tpu.memory_space<hbm>>
      tpu.enqueue_dma source(%dma_start3A_114 : memref<5x128xi32, #tpu.memory_space<hbm>>) target(%arg5 : memref<5x128xi32, #tpu.memory_space<vmem>>) target_semaphore(%run_scoped3A : memref<!tpu.dma_semaphore, #tpu.memory_space<semaphore_mem>>)
      %dma_wait3A_115 = arith.constant 0 : i32
      %dma_wait3A_116 = arith.constant 0 : i32
      %dma_wait3A_117 = tpu.memref_slice %arg2[%add3A, %dma_wait3A_115, %dma_wait3A_116] : memref<32x5x128xi32, #tpu.memory_space<hbm>> -> memref<1x5x128xi32, #tpu.memory_space<hbm>>
      %dma_wait3A_118 = tpu.memref_squeeze %dma_wait3A_117 : memref<1x5x128xi32, #tpu.memory_space<hbm>> -> memref<5x128xi32, #tpu.memory_space<hbm>>
      %dma_wait3A_119 = arith.constant 0 : i32
      %dma_wait3A_120 = arith.constant 0 : i32
      %dma_wait3A_121 = tpu.memref_slice %arg2[%add3A, %dma_wait3A_119, %dma_wait3A_120] : memref<32x5x128xi32, #tpu.memory_space<hbm>> -> memref<1x5x128xi32, #tpu.memory_space<hbm>>
      %dma_wait3A_122 = tpu.memref_squeeze %dma_wait3A_121 : memref<1x5x128xi32, #tpu.memory_space<hbm>> -> memref<5x128xi32, #tpu.memory_space<hbm>>
      tpu.wait_dma2 semaphore(%run_scoped3A : memref<!tpu.dma_semaphore, #tpu.memory_space<semaphore_mem>>) src(%dma_wait3A_122 : memref<5x128xi32, #tpu.memory_space<hbm>>) dst(%arg5 : memref<5x128xi32, #tpu.memory_space<vmem>>)
      tpu.yield
    }) : () -> ()
    %dma_start3A = arith.constant 0 : i32
    %dma_start3A_1 = arith.constant 0 : i32
    %dma_start3A_2 = arith.constant 0 : i32
    %dma_start3A_3 = tpu.memref_slice %arg6[%dma_start3A_1, %dma_start3A_2] : memref<640x64xf32, #tpu.memory_space<vmem>> -> memref<128x64xf32, #tpu.memory_space<vmem>>
    %dma_start3A_4 = arith.constant 0 : i32
    %dma_start3A_5 = tpu.memref_slice %arg5[%dma_start3A, %dma_start3A_4] : memref<5x128xi32, #tpu.memory_space<vmem>> -> memref<1x128xi32, #tpu.memory_space<vmem>>
    %dma_start3A_6 = tpu.memref_squeeze %dma_start3A_5 : memref<1x128xi32, #tpu.memory_space<vmem>> -> memref<128xi32, #tpu.memory_space<vmem>>
    %dma_start3A_7 = arith.constant 0 : i32
    %dma_start3A_8 = arith.constant 0 : i32
    %dma_start3A_9 = tpu.memref_slice %arg3[%dma_start3A_7, %dma_start3A_8] : memref<100000x64xf32, #tpu.memory_space<hbm>> -> memref<100000x64xf32, #tpu.memory_space<hbm>>
    tpu.enqueue_indirect_dma source(%dma_start3A_9 : memref<100000x64xf32, #tpu.memory_space<hbm>>) target(%dma_start3A_3 : memref<128x64xf32, #tpu.memory_space<vmem>>) offsets(%dma_start3A_6 : memref<128xi32, #tpu.memory_space<vmem>>) semaphore(%arg8 : memref<!tpu.dma_semaphore, #tpu.memory_space<semaphore_mem>>)
    %dma_start3A_10 = arith.constant 1 : i32
    %dma_start3A_11 = arith.constant 128 : i32
    %dma_start3A_12 = arith.constant 0 : i32
    %dma_start3A_13 = tpu.memref_slice %arg6[%dma_start3A_11, %dma_start3A_12] : memref<640x64xf32, #tpu.memory_space<vmem>> -> memref<128x64xf32, #tpu.memory_space<vmem>>
    %dma_start3A_14 = arith.constant 0 : i32
    %dma_start3A_15 = tpu.memref_slice %arg5[%dma_start3A_10, %dma_start3A_14] : memref<5x128xi32, #tpu.memory_space<vmem>> -> memref<1x128xi32, #tpu.memory_space<vmem>>
    %dma_start3A_16 = tpu.memref_squeeze %dma_start3A_15 : memref<1x128xi32, #tpu.memory_space<vmem>> -> memref<128xi32, #tpu.memory_space<vmem>>
    %dma_start3A_17 = arith.constant 0 : i32
    %dma_start3A_18 = arith.constant 0 : i32
    %dma_start3A_19 = tpu.memref_slice %arg3[%dma_start3A_17, %dma_start3A_18] : memref<100000x64xf32, #tpu.memory_space<hbm>> -> memref<100000x64xf32, #tpu.memory_space<hbm>>
    tpu.enqueue_indirect_dma source(%dma_start3A_19 : memref<100000x64xf32, #tpu.memory_space<hbm>>) target(%dma_start3A_13 : memref<128x64xf32, #tpu.memory_space<vmem>>) offsets(%dma_start3A_16 : memref<128xi32, #tpu.memory_space<vmem>>) semaphore(%arg8 : memref<!tpu.dma_semaphore, #tpu.memory_space<semaphore_mem>>)
    %dma_start3A_20 = arith.constant 2 : i32
    %dma_start3A_21 = arith.constant 256 : i32
    %dma_start3A_22 = arith.constant 0 : i32
    %dma_start3A_23 = tpu.memref_slice %arg6[%dma_start3A_21, %dma_start3A_22] : memref<640x64xf32, #tpu.memory_space<vmem>> -> memref<128x64xf32, #tpu.memory_space<vmem>>
    %dma_start3A_24 = arith.constant 0 : i32
    %dma_start3A_25 = tpu.memref_slice %arg5[%dma_start3A_20, %dma_start3A_24] : memref<5x128xi32, #tpu.memory_space<vmem>> -> memref<1x128xi32, #tpu.memory_space<vmem>>
    %dma_start3A_26 = tpu.memref_squeeze %dma_start3A_25 : memref<1x128xi32, #tpu.memory_space<vmem>> -> memref<128xi32, #tpu.memory_space<vmem>>
    %dma_start3A_27 = arith.constant 0 : i32
    %dma_start3A_28 = arith.constant 0 : i32
    %dma_start3A_29 = tpu.memref_slice %arg3[%dma_start3A_27, %dma_start3A_28] : memref<100000x64xf32, #tpu.memory_space<hbm>> -> memref<100000x64xf32, #tpu.memory_space<hbm>>
    tpu.enqueue_indirect_dma source(%dma_start3A_29 : memref<100000x64xf32, #tpu.memory_space<hbm>>) target(%dma_start3A_23 : memref<128x64xf32, #tpu.memory_space<vmem>>) offsets(%dma_start3A_26 : memref<128xi32, #tpu.memory_space<vmem>>) semaphore(%arg8 : memref<!tpu.dma_semaphore, #tpu.memory_space<semaphore_mem>>)
    %dma_start3A_30 = arith.constant 3 : i32
    %dma_start3A_31 = arith.constant 384 : i32
    %dma_start3A_32 = arith.constant 0 : i32
    %dma_start3A_33 = tpu.memref_slice %arg6[%dma_start3A_31, %dma_start3A_32] : memref<640x64xf32, #tpu.memory_space<vmem>> -> memref<128x64xf32, #tpu.memory_space<vmem>>
    %dma_start3A_34 = arith.constant 0 : i32
    %dma_start3A_35 = tpu.memref_slice %arg5[%dma_start3A_30, %dma_start3A_34] : memref<5x128xi32, #tpu.memory_space<vmem>> -> memref<1x128xi32, #tpu.memory_space<vmem>>
    %dma_start3A_36 = tpu.memref_squeeze %dma_start3A_35 : memref<1x128xi32, #tpu.memory_space<vmem>> -> memref<128xi32, #tpu.memory_space<vmem>>
    %dma_start3A_37 = arith.constant 0 : i32
    %dma_start3A_38 = arith.constant 0 : i32
    %dma_start3A_39 = tpu.memref_slice %arg3[%dma_start3A_37, %dma_start3A_38] : memref<100000x64xf32, #tpu.memory_space<hbm>> -> memref<100000x64xf32, #tpu.memory_space<hbm>>
    tpu.enqueue_indirect_dma source(%dma_start3A_39 : memref<100000x64xf32, #tpu.memory_space<hbm>>) target(%dma_start3A_33 : memref<128x64xf32, #tpu.memory_space<vmem>>) offsets(%dma_start3A_36 : memref<128xi32, #tpu.memory_space<vmem>>) semaphore(%arg8 : memref<!tpu.dma_semaphore, #tpu.memory_space<semaphore_mem>>)
    %dma_start3A_40 = arith.constant 4 : i32
    %dma_start3A_41 = arith.constant 512 : i32
    %dma_start3A_42 = arith.constant 0 : i32
    %dma_start3A_43 = tpu.memref_slice %arg6[%dma_start3A_41, %dma_start3A_42] : memref<640x64xf32, #tpu.memory_space<vmem>> -> memref<128x64xf32, #tpu.memory_space<vmem>>
    %dma_start3A_44 = arith.constant 0 : i32
    %dma_start3A_45 = tpu.memref_slice %arg5[%dma_start3A_40, %dma_start3A_44] : memref<5x128xi32, #tpu.memory_space<vmem>> -> memref<1x128xi32, #tpu.memory_space<vmem>>
    %dma_start3A_46 = tpu.memref_squeeze %dma_start3A_45 : memref<1x128xi32, #tpu.memory_space<vmem>> -> memref<128xi32, #tpu.memory_space<vmem>>
    %dma_start3A_47 = arith.constant 0 : i32
    %dma_start3A_48 = arith.constant 0 : i32
    %dma_start3A_49 = tpu.memref_slice %arg3[%dma_start3A_47, %dma_start3A_48] : memref<100000x64xf32, #tpu.memory_space<hbm>> -> memref<100000x64xf32, #tpu.memory_space<hbm>>
    tpu.enqueue_indirect_dma source(%dma_start3A_49 : memref<100000x64xf32, #tpu.memory_space<hbm>>) target(%dma_start3A_43 : memref<128x64xf32, #tpu.memory_space<vmem>>) offsets(%dma_start3A_46 : memref<128xi32, #tpu.memory_space<vmem>>) semaphore(%arg8 : memref<!tpu.dma_semaphore, #tpu.memory_space<semaphore_mem>>)
    %dma_wait3A = arith.constant 0 : i32
    %dma_wait3A_50 = arith.constant 0 : i32
    %dma_wait3A_51 = arith.constant 0 : i32
    %dma_wait3A_52 = tpu.memref_slice %arg6[%dma_wait3A_50, %dma_wait3A_51] : memref<640x64xf32, #tpu.memory_space<vmem>> -> memref<128x64xf32, #tpu.memory_space<vmem>>
    %dma_wait3A_53 = arith.constant 0 : i32
    %dma_wait3A_54 = tpu.memref_slice %arg5[%dma_wait3A, %dma_wait3A_53] : memref<5x128xi32, #tpu.memory_space<vmem>> -> memref<1x128xi32, #tpu.memory_space<vmem>>
    %dma_wait3A_55 = tpu.memref_squeeze %dma_wait3A_54 : memref<1x128xi32, #tpu.memory_space<vmem>> -> memref<128xi32, #tpu.memory_space<vmem>>
    %dma_wait3A_56 = arith.constant 0 : i32
    %dma_wait3A_57 = arith.constant 0 : i32
    %dma_wait3A_58 = tpu.memref_slice %arg3[%dma_wait3A_56, %dma_wait3A_57] : memref<100000x64xf32, #tpu.memory_space<hbm>> -> memref<100000x64xf32, #tpu.memory_space<hbm>>
    tpu.wait_indirect_dma semaphore(%arg8 : memref<!tpu.dma_semaphore, #tpu.memory_space<semaphore_mem>>) src(%dma_wait3A_58 : memref<100000x64xf32, #tpu.memory_space<hbm>>) dst(%dma_wait3A_52 : memref<128x64xf32, #tpu.memory_space<vmem>>)
    %dma_wait3A_59 = arith.constant 1 : i32
    %dma_wait3A_60 = arith.constant 128 : i32
    %dma_wait3A_61 = arith.constant 0 : i32
    %dma_wait3A_62 = tpu.memref_slice %arg6[%dma_wait3A_60, %dma_wait3A_61] : memref<640x64xf32, #tpu.memory_space<vmem>> -> memref<128x64xf32, #tpu.memory_space<vmem>>
    %dma_wait3A_63 = arith.constant 0 : i32
    %dma_wait3A_64 = tpu.memref_slice %arg5[%dma_wait3A_59, %dma_wait3A_63] : memref<5x128xi32, #tpu.memory_space<vmem>> -> memref<1x128xi32, #tpu.memory_space<vmem>>
    %dma_wait3A_65 = tpu.memref_squeeze %dma_wait3A_64 : memref<1x128xi32, #tpu.memory_space<vmem>> -> memref<128xi32, #tpu.memory_space<vmem>>
    %dma_wait3A_66 = arith.constant 0 : i32
    %dma_wait3A_67 = arith.constant 0 : i32
    %dma_wait3A_68 = tpu.memref_slice %arg3[%dma_wait3A_66, %dma_wait3A_67] : memref<100000x64xf32, #tpu.memory_space<hbm>> -> memref<100000x64xf32, #tpu.memory_space<hbm>>
    tpu.wait_indirect_dma semaphore(%arg8 : memref<!tpu.dma_semaphore, #tpu.memory_space<semaphore_mem>>) src(%dma_wait3A_68 : memref<100000x64xf32, #tpu.memory_space<hbm>>) dst(%dma_wait3A_62 : memref<128x64xf32, #tpu.memory_space<vmem>>)
    %dma_wait3A_69 = arith.constant 2 : i32
    %dma_wait3A_70 = arith.constant 256 : i32
    %dma_wait3A_71 = arith.constant 0 : i32
    %dma_wait3A_72 = tpu.memref_slice %arg6[%dma_wait3A_70, %dma_wait3A_71] : memref<640x64xf32, #tpu.memory_space<vmem>> -> memref<128x64xf32, #tpu.memory_space<vmem>>
    %dma_wait3A_73 = arith.constant 0 : i32
    %dma_wait3A_74 = tpu.memref_slice %arg5[%dma_wait3A_69, %dma_wait3A_73] : memref<5x128xi32, #tpu.memory_space<vmem>> -> memref<1x128xi32, #tpu.memory_space<vmem>>
    %dma_wait3A_75 = tpu.memref_squeeze %dma_wait3A_74 : memref<1x128xi32, #tpu.memory_space<vmem>> -> memref<128xi32, #tpu.memory_space<vmem>>
    %dma_wait3A_76 = arith.constant 0 : i32
    %dma_wait3A_77 = arith.constant 0 : i32
    %dma_wait3A_78 = tpu.memref_slice %arg3[%dma_wait3A_76, %dma_wait3A_77] : memref<100000x64xf32, #tpu.memory_space<hbm>> -> memref<100000x64xf32, #tpu.memory_space<hbm>>
    tpu.wait_indirect_dma semaphore(%arg8 : memref<!tpu.dma_semaphore, #tpu.memory_space<semaphore_mem>>) src(%dma_wait3A_78 : memref<100000x64xf32, #tpu.memory_space<hbm>>) dst(%dma_wait3A_72 : memref<128x64xf32, #tpu.memory_space<vmem>>)
    %dma_wait3A_79 = arith.constant 3 : i32
    %dma_wait3A_80 = arith.constant 384 : i32
    %dma_wait3A_81 = arith.constant 0 : i32
    %dma_wait3A_82 = tpu.memref_slice %arg6[%dma_wait3A_80, %dma_wait3A_81] : memref<640x64xf32, #tpu.memory_space<vmem>> -> memref<128x64xf32, #tpu.memory_space<vmem>>
    %dma_wait3A_83 = arith.constant 0 : i32
    %dma_wait3A_84 = tpu.memref_slice %arg5[%dma_wait3A_79, %dma_wait3A_83] : memref<5x128xi32, #tpu.memory_space<vmem>> -> memref<1x128xi32, #tpu.memory_space<vmem>>
    %dma_wait3A_85 = tpu.memref_squeeze %dma_wait3A_84 : memref<1x128xi32, #tpu.memory_space<vmem>> -> memref<128xi32, #tpu.memory_space<vmem>>
    %dma_wait3A_86 = arith.constant 0 : i32
    %dma_wait3A_87 = arith.constant 0 : i32
    %dma_wait3A_88 = tpu.memref_slice %arg3[%dma_wait3A_86, %dma_wait3A_87] : memref<100000x64xf32, #tpu.memory_space<hbm>> -> memref<100000x64xf32, #tpu.memory_space<hbm>>
    tpu.wait_indirect_dma semaphore(%arg8 : memref<!tpu.dma_semaphore, #tpu.memory_space<semaphore_mem>>) src(%dma_wait3A_88 : memref<100000x64xf32, #tpu.memory_space<hbm>>) dst(%dma_wait3A_82 : memref<128x64xf32, #tpu.memory_space<vmem>>)
    %dma_wait3A_89 = arith.constant 4 : i32
    %dma_wait3A_90 = arith.constant 512 : i32
    %dma_wait3A_91 = arith.constant 0 : i32
    %dma_wait3A_92 = tpu.memref_slice %arg6[%dma_wait3A_90, %dma_wait3A_91] : memref<640x64xf32, #tpu.memory_space<vmem>> -> memref<128x64xf32, #tpu.memory_space<vmem>>
    %dma_wait3A_93 = arith.constant 0 : i32
    %dma_wait3A_94 = tpu.memref_slice %arg5[%dma_wait3A_89, %dma_wait3A_93] : memref<5x128xi32, #tpu.memory_space<vmem>> -> memref<1x128xi32, #tpu.memory_space<vmem>>
    %dma_wait3A_95 = tpu.memref_squeeze %dma_wait3A_94 : memref<1x128xi32, #tpu.memory_space<vmem>> -> memref<128xi32, #tpu.memory_space<vmem>>
    %dma_wait3A_96 = arith.constant 0 : i32
    %dma_wait3A_97 = arith.constant 0 : i32
    %dma_wait3A_98 = tpu.memref_slice %arg3[%dma_wait3A_96, %dma_wait3A_97] : memref<100000x64xf32, #tpu.memory_space<hbm>> -> memref<100000x64xf32, #tpu.memory_space<hbm>>
    tpu.wait_indirect_dma semaphore(%arg8 : memref<!tpu.dma_semaphore, #tpu.memory_space<semaphore_mem>>) src(%dma_wait3A_98 : memref<100000x64xf32, #tpu.memory_space<hbm>>) dst(%dma_wait3A_92 : memref<128x64xf32, #tpu.memory_space<vmem>>)
    %scan3A = arith.constant 0 : i32
    %scan3A_99 = arith.constant 5.000000e-02 : f32
    %scan3A_100 = arith.constant 0 : i32
    %scan3A_101 = arith.constant 32 : i32
    %scan3A_102 = arith.addi %scan3A_100, %scan3A_101 : i32
    %scan3A_103 = arith.constant 1 : i32
    scf.for %scan3A_107 = %scan3A_100 to %scan3A_102 step %scan3A_103  : i32 {
      %mul3A_108 = arith.constant 20 : i32
      %mul3A_109 = arith.muli %scan3A_107, %mul3A_108 : i32
      %get3A = arith.index_cast %mul3A_109 : i32 to index
      %get3A_110 = arith.constant 0 : index
      %get3A_111 = tpu.vector_load %arg6[%get3A, %get3A_110] {strides = array<i32>} : memref<640x64xf32, #tpu.memory_space<vmem>>, vector<1x16xf32>,
      %get3A_112 = vector.shape_cast %get3A_111 : vector<1x16xf32> to vector<16xf32>
      %mul3A_113 = arith.constant 20 : i32
      %mul3A_114 = arith.muli %scan3A_107, %mul3A_113 : i32
      %add3A_115 = arith.constant 1 : i32
      %add3A_116 = arith.addi %mul3A_114, %add3A_115 : i32
      %get3A_117 = arith.index_cast %add3A_116 : i32 to index
      %get3A_118 = arith.constant 0 : index
      %get3A_119 = tpu.vector_load %arg6[%get3A_117, %get3A_118] {strides = array<i32>} : memref<640x64xf32, #tpu.memory_space<vmem>>, vector<1x16xf32>,
      %get3A_120 = vector.shape_cast %get3A_119 : vector<1x16xf32> to vector<16xf32>
      %add3A_121 = arith.addf %get3A_112, %get3A_120 : vector<16xf32>
      %mul3A_122 = arith.constant 20 : i32
      %mul3A_123 = arith.muli %scan3A_107, %mul3A_122 : i32
      %add3A_124 = arith.constant 2 : i32
      %add3A_125 = arith.addi %mul3A_123, %add3A_124 : i32
      %get3A_126 = arith.index_cast %add3A_125 : i32 to index
      %get3A_127 = arith.constant 0 : index
      %get3A_128 = tpu.vector_load %arg6[%get3A_126, %get3A_127] {strides = array<i32>} : memref<640x64xf32, #tpu.memory_space<vmem>>, vector<1x16xf32>,
      %get3A_129 = vector.shape_cast %get3A_128 : vector<1x16xf32> to vector<16xf32>
      %add3A_130 = arith.addf %add3A_121, %get3A_129 : vector<16xf32>
      %mul3A_131 = arith.constant 20 : i32
      %mul3A_132 = arith.muli %scan3A_107, %mul3A_131 : i32
      %add3A_133 = arith.constant 3 : i32
      %add3A_134 = arith.addi %mul3A_132, %add3A_133 : i32
      %get3A_135 = arith.index_cast %add3A_134 : i32 to index
      %get3A_136 = arith.constant 0 : index
      %get3A_137 = tpu.vector_load %arg6[%get3A_135, %get3A_136] {strides = array<i32>} : memref<640x64xf32, #tpu.memory_space<vmem>>, vector<1x16xf32>,
      %get3A_138 = vector.shape_cast %get3A_137 : vector<1x16xf32> to vector<16xf32>
      %add3A_139 = arith.addf %add3A_130, %get3A_138 : vector<16xf32>
      %mul3A_140 = arith.constant 20 : i32
      %mul3A_141 = arith.muli %scan3A_107, %mul3A_140 : i32
      %add3A_142 = arith.constant 4 : i32
      %add3A_143 = arith.addi %mul3A_141, %add3A_142 : i32
      %get3A_144 = arith.index_cast %add3A_143 : i32 to index
      %get3A_145 = arith.constant 0 : index
      %get3A_146 = tpu.vector_load %arg6[%get3A_144, %get3A_145] {strides = array<i32>} : memref<640x64xf32, #tpu.memory_space<vmem>>, vector<1x16xf32>,
      %get3A_147 = vector.shape_cast %get3A_146 : vector<1x16xf32> to vector<16xf32>
      %add3A_148 = arith.addf %add3A_139, %get3A_147 : vector<16xf32>
      %mul3A_149 = arith.constant 20 : i32
      %mul3A_150 = arith.muli %scan3A_107, %mul3A_149 : i32
      %add3A_151 = arith.constant 5 : i32
      %add3A_152 = arith.addi %mul3A_150, %add3A_151 : i32
      %get3A_153 = arith.index_cast %add3A_152 : i32 to index
      %get3A_154 = arith.constant 0 : index
      %get3A_155 = tpu.vector_load %arg6[%get3A_153, %get3A_154] {strides = array<i32>} : memref<640x64xf32, #tpu.memory_space<vmem>>, vector<1x16xf32>,
      %get3A_156 = vector.shape_cast %get3A_155 : vector<1x16xf32> to vector<16xf32>
      %add3A_157 = arith.addf %add3A_148, %get3A_156 : vector<16xf32>
      %mul3A_158 = arith.constant 20 : i32
      %mul3A_159 = arith.muli %scan3A_107, %mul3A_158 : i32
      %add3A_160 = arith.constant 6 : i32
      %add3A_161 = arith.addi %mul3A_159, %add3A_160 : i32
      %get3A_162 = arith.index_cast %add3A_161 : i32 to index
      %get3A_163 = arith.constant 0 : index
      %get3A_164 = tpu.vector_load %arg6[%get3A_162, %get3A_163] {strides = array<i32>} : memref<640x64xf32, #tpu.memory_space<vmem>>, vector<1x16xf32>,
      %get3A_165 = vector.shape_cast %get3A_164 : vector<1x16xf32> to vector<16xf32>
      %add3A_166 = arith.addf %add3A_157, %get3A_165 : vector<16xf32>
      %mul3A_167 = arith.constant 20 : i32
      %mul3A_168 = arith.muli %scan3A_107, %mul3A_167 : i32
      %add3A_169 = arith.constant 7 : i32
      %add3A_170 = arith.addi %mul3A_168, %add3A_169 : i32
      %get3A_171 = arith.index_cast %add3A_170 : i32 to index
      %get3A_172 = arith.constant 0 : index
      %get3A_173 = tpu.vector_load %arg6[%get3A_171, %get3A_172] {strides = array<i32>} : memref<640x64xf32, #tpu.memory_space<vmem>>, vector<1x16xf32>,
      %get3A_174 = vector.shape_cast %get3A_173 : vector<1x16xf32> to vector<16xf32>
      %add3A_175 = arith.addf %add3A_166, %get3A_174 : vector<16xf32>
      %mul3A_176 = arith.constant 20 : i32
      %mul3A_177 = arith.muli %scan3A_107, %mul3A_176 : i32
      %add3A_178 = arith.constant 8 : i32
      %add3A_179 = arith.addi %mul3A_177, %add3A_178 : i32
      %get3A_180 = arith.index_cast %add3A_179 : i32 to index
      %get3A_181 = arith.constant 0 : index
      %get3A_182 = tpu.vector_load %arg6[%get3A_180, %get3A_181] {strides = array<i32>} : memref<640x64xf32, #tpu.memory_space<vmem>>, vector<1x16xf32>,
      %get3A_183 = vector.shape_cast %get3A_182 : vector<1x16xf32> to vector<16xf32>
      %add3A_184 = arith.addf %add3A_175, %get3A_183 : vector<16xf32>
      %mul3A_185 = arith.constant 20 : i32
      %mul3A_186 = arith.muli %scan3A_107, %mul3A_185 : i32
      %add3A_187 = arith.constant 9 : i32
      %add3A_188 = arith.addi %mul3A_186, %add3A_187 : i32
      %get3A_189 = arith.index_cast %add3A_188 : i32 to index
      %get3A_190 = arith.constant 0 : index
      %get3A_191 = tpu.vector_load %arg6[%get3A_189, %get3A_190] {strides = array<i32>} : memref<640x64xf32, #tpu.memory_space<vmem>>, vector<1x16xf32>,
      %get3A_192 = vector.shape_cast %get3A_191 : vector<1x16xf32> to vector<16xf32>
      %add3A_193 = arith.addf %add3A_184, %get3A_192 : vector<16xf32>
      %mul3A_194 = arith.constant 20 : i32
      %mul3A_195 = arith.muli %scan3A_107, %mul3A_194 : i32
      %add3A_196 = arith.constant 10 : i32
      %add3A_197 = arith.addi %mul3A_195, %add3A_196 : i32
      %get3A_198 = arith.index_cast %add3A_197 : i32 to index
      %get3A_199 = arith.constant 0 : index
      %get3A_200 = tpu.vector_load %arg6[%get3A_198, %get3A_199] {strides = array<i32>} : memref<640x64xf32, #tpu.memory_space<vmem>>, vector<1x16xf32>,
      %get3A_201 = vector.shape_cast %get3A_200 : vector<1x16xf32> to vector<16xf32>
      %add3A_202 = arith.addf %add3A_193, %get3A_201 : vector<16xf32>
      %mul3A_203 = arith.constant 20 : i32
      %mul3A_204 = arith.muli %scan3A_107, %mul3A_203 : i32
      %add3A_205 = arith.constant 11 : i32
      %add3A_206 = arith.addi %mul3A_204, %add3A_205 : i32
      %get3A_207 = arith.index_cast %add3A_206 : i32 to index
      %get3A_208 = arith.constant 0 : index
      %get3A_209 = tpu.vector_load %arg6[%get3A_207, %get3A_208] {strides = array<i32>} : memref<640x64xf32, #tpu.memory_space<vmem>>, vector<1x16xf32>,
      %get3A_210 = vector.shape_cast %get3A_209 : vector<1x16xf32> to vector<16xf32>
      %add3A_211 = arith.addf %add3A_202, %get3A_210 : vector<16xf32>
      %mul3A_212 = arith.constant 20 : i32
      %mul3A_213 = arith.muli %scan3A_107, %mul3A_212 : i32
      %add3A_214 = arith.constant 12 : i32
      %add3A_215 = arith.addi %mul3A_213, %add3A_214 : i32
      %get3A_216 = arith.index_cast %add3A_215 : i32 to index
      %get3A_217 = arith.constant 0 : index
      %get3A_218 = tpu.vector_load %arg6[%get3A_216, %get3A_217] {strides = array<i32>} : memref<640x64xf32, #tpu.memory_space<vmem>>, vector<1x16xf32>,
      %get3A_219 = vector.shape_cast %get3A_218 : vector<1x16xf32> to vector<16xf32>
      %add3A_220 = arith.addf %add3A_211, %get3A_219 : vector<16xf32>
      %mul3A_221 = arith.constant 20 : i32
      %mul3A_222 = arith.muli %scan3A_107, %mul3A_221 : i32
      %add3A_223 = arith.constant 13 : i32
      %add3A_224 = arith.addi %mul3A_222, %add3A_223 : i32
      %get3A_225 = arith.index_cast %add3A_224 : i32 to index
      %get3A_226 = arith.constant 0 : index
      %get3A_227 = tpu.vector_load %arg6[%get3A_225, %get3A_226] {strides = array<i32>} : memref<640x64xf32, #tpu.memory_space<vmem>>, vector<1x16xf32>,
      %get3A_228 = vector.shape_cast %get3A_227 : vector<1x16xf32> to vector<16xf32>
      %add3A_229 = arith.addf %add3A_220, %get3A_228 : vector<16xf32>
      %mul3A_230 = arith.constant 20 : i32
      %mul3A_231 = arith.muli %scan3A_107, %mul3A_230 : i32
      %add3A_232 = arith.constant 14 : i32
      %add3A_233 = arith.addi %mul3A_231, %add3A_232 : i32
      %get3A_234 = arith.index_cast %add3A_233 : i32 to index
      %get3A_235 = arith.constant 0 : index
      %get3A_236 = tpu.vector_load %arg6[%get3A_234, %get3A_235] {strides = array<i32>} : memref<640x64xf32, #tpu.memory_space<vmem>>, vector<1x16xf32>,
      %get3A_237 = vector.shape_cast %get3A_236 : vector<1x16xf32> to vector<16xf32>
      %add3A_238 = arith.addf %add3A_229, %get3A_237 : vector<16xf32>
      %mul3A_239 = arith.constant 20 : i32
      %mul3A_240 = arith.muli %scan3A_107, %mul3A_239 : i32
      %add3A_241 = arith.constant 15 : i32
      %add3A_242 = arith.addi %mul3A_240, %add3A_241 : i32
      %get3A_243 = arith.index_cast %add3A_242 : i32 to index
      %get3A_244 = arith.constant 0 : index
      %get3A_245 = tpu.vector_load %arg6[%get3A_243, %get3A_244] {strides = array<i32>} : memref<640x64xf32, #tpu.memory_space<vmem>>, vector<1x16xf32>,
      %get3A_246 = vector.shape_cast %get3A_245 : vector<1x16xf32> to vector<16xf32>
      %add3A_247 = arith.addf %add3A_238, %get3A_246 : vector<16xf32>
      %mul3A_248 = arith.constant 20 : i32
      %mul3A_249 = arith.muli %scan3A_107, %mul3A_248 : i32
      %add3A_250 = arith.constant 16 : i32
      %add3A_251 = arith.addi %mul3A_249, %add3A_250 : i32
      %get3A_252 = arith.index_cast %add3A_251 : i32 to index
      %get3A_253 = arith.constant 0 : index
      %get3A_254 = tpu.vector_load %arg6[%get3A_252, %get3A_253] {strides = array<i32>} : memref<640x64xf32, #tpu.memory_space<vmem>>, vector<1x16xf32>,
      %get3A_255 = vector.shape_cast %get3A_254 : vector<1x16xf32> to vector<16xf32>
      %add3A_256 = arith.addf %add3A_247, %get3A_255 : vector<16xf32>
      %mul3A_257 = arith.constant 20 : i32
      %mul3A_258 = arith.muli %scan3A_107, %mul3A_257 : i32
      %add3A_259 = arith.constant 17 : i32
      %add3A_260 = arith.addi %mul3A_258, %add3A_259 : i32
      %get3A_261 = arith.index_cast %add3A_260 : i32 to index
      %get3A_262 = arith.constant 0 : index
      %get3A_263 = tpu.vector_load %arg6[%get3A_261, %get3A_262] {strides = array<i32>} : memref<640x64xf32, #tpu.memory_space<vmem>>, vector<1x16xf32>,
      %get3A_264 = vector.shape_cast %get3A_263 : vector<1x16xf32> to vector<16xf32>
      %add3A_265 = arith.addf %add3A_256, %get3A_264 : vector<16xf32>
      %mul3A_266 = arith.constant 20 : i32
      %mul3A_267 = arith.muli %scan3A_107, %mul3A_266 : i32
      %add3A_268 = arith.constant 18 : i32
      %add3A_269 = arith.addi %mul3A_267, %add3A_268 : i32
      %get3A_270 = arith.index_cast %add3A_269 : i32 to index
      %get3A_271 = arith.constant 0 : index
      %get3A_272 = tpu.vector_load %arg6[%get3A_270, %get3A_271] {strides = array<i32>} : memref<640x64xf32, #tpu.memory_space<vmem>>, vector<1x16xf32>,
      %get3A_273 = vector.shape_cast %get3A_272 : vector<1x16xf32> to vector<16xf32>
      %add3A_274 = arith.addf %add3A_265, %get3A_273 : vector<16xf32>
      %mul3A_275 = arith.constant 20 : i32
      %mul3A_276 = arith.muli %scan3A_107, %mul3A_275 : i32
      %add3A_277 = arith.constant 19 : i32
      %add3A_278 = arith.addi %mul3A_276, %add3A_277 : i32
      %get3A_279 = arith.index_cast %add3A_278 : i32 to index
      %get3A_280 = arith.constant 0 : index
      %get3A_281 = tpu.vector_load %arg6[%get3A_279, %get3A_280] {strides = array<i32>} : memref<640x64xf32, #tpu.memory_space<vmem>>, vector<1x16xf32>,
      %get3A_282 = vector.shape_cast %get3A_281 : vector<1x16xf32> to vector<16xf32>
      %add3A_283 = arith.addf %add3A_274, %get3A_282 : vector<16xf32>
      %mul3A_284 = vector.broadcast %scan3A_99 : f32 to vector<16xf32>
      %mul3A_285 = arith.mulf %add3A_283, %mul3A_284 : vector<16xf32>
      %swap3A = arith.index_cast %scan3A_107 : i32 to index
      %swap3A_286 = arith.constant 0 : index
      %swap3A_287 = tpu.vector_load %arg7[%swap3A, %swap3A_286] {strides = array<i32>} : memref<32x64xf32, #tpu.memory_space<vmem>>, vector<1x16xf32>,
      %swap3A_288 = vector.shape_cast %swap3A_287 : vector<1x16xf32> to vector<16xf32>
      %swap3A_289 = vector.shape_cast %mul3A_285 : vector<16xf32> to vector<1x16xf32>
      tpu.vector_store %arg7[%swap3A, %swap3A_286], %swap3A_289 {strides = array<i32>} : memref<32x64xf32, #tpu.memory_space<vmem>>, vector<1x16xf32>,
      %mul3A_290 = arith.constant 20 : i32
      %mul3A_291 = arith.muli %scan3A_107, %mul3A_290 : i32
      %get3A_292 = arith.index_cast %mul3A_291 : i32 to index
      %get3A_293 = arith.constant 16 : index
      %get3A_294 = tpu.vector_load %arg6[%get3A_292, %get3A_293] {strides = array<i32>} : memref<640x64xf32, #tpu.memory_space<vmem>>, vector<1x16xf32>,
      %get3A_295 = vector.shape_cast %get3A_294 : vector<1x16xf32> to vector<16xf32>
      %mul3A_296 = arith.constant 20 : i32
      %mul3A_297 = arith.muli %scan3A_107, %mul3A_296 : i32
      %add3A_298 = arith.constant 1 : i32
      %add3A_299 = arith.addi %mul3A_297, %add3A_298 : i32
      %get3A_300 = arith.index_cast %add3A_299 : i32 to index
      %get3A_301 = arith.constant 16 : index
      %get3A_302 = tpu.vector_load %arg6[%get3A_300, %get3A_301] {strides = array<i32>} : memref<640x64xf32, #tpu.memory_space<vmem>>, vector<1x16xf32>,
      %get3A_303 = vector.shape_cast %get3A_302 : vector<1x16xf32> to vector<16xf32>
      %add3A_304 = arith.addf %get3A_295, %get3A_303 : vector<16xf32>
      %mul3A_305 = arith.constant 20 : i32
      %mul3A_306 = arith.muli %scan3A_107, %mul3A_305 : i32
      %add3A_307 = arith.constant 2 : i32
      %add3A_308 = arith.addi %mul3A_306, %add3A_307 : i32
      %get3A_309 = arith.index_cast %add3A_308 : i32 to index
      %get3A_310 = arith.constant 16 : index
      %get3A_311 = tpu.vector_load %arg6[%get3A_309, %get3A_310] {strides = array<i32>} : memref<640x64xf32, #tpu.memory_space<vmem>>, vector<1x16xf32>,
      %get3A_312 = vector.shape_cast %get3A_311 : vector<1x16xf32> to vector<16xf32>
      %add3A_313 = arith.addf %add3A_304, %get3A_312 : vector<16xf32>
      %mul3A_314 = arith.constant 20 : i32
      %mul3A_315 = arith.muli %scan3A_107, %mul3A_314 : i32
      %add3A_316 = arith.constant 3 : i32
      %add3A_317 = arith.addi %mul3A_315, %add3A_316 : i32
      %get3A_318 = arith.index_cast %add3A_317 : i32 to index
      %get3A_319 = arith.constant 16 : index
      %get3A_320 = tpu.vector_load %arg6[%get3A_318, %get3A_319] {strides = array<i32>} : memref<640x64xf32, #tpu.memory_space<vmem>>, vector<1x16xf32>,
      %get3A_321 = vector.shape_cast %get3A_320 : vector<1x16xf32> to vector<16xf32>
      %add3A_322 = arith.addf %add3A_313, %get3A_321 : vector<16xf32>
      %mul3A_323 = arith.constant 20 : i32
      %mul3A_324 = arith.muli %scan3A_107, %mul3A_323 : i32
      %add3A_325 = arith.constant 4 : i32
      %add3A_326 = arith.addi %mul3A_324, %add3A_325 : i32
      %get3A_327 = arith.index_cast %add3A_326 : i32 to index
      %get3A_328 = arith.constant 16 : index
      %get3A_329 = tpu.vector_load %arg6[%get3A_327, %get3A_328] {strides = array<i32>} : memref<640x64xf32, #tpu.memory_space<vmem>>, vector<1x16xf32>,
      %get3A_330 = vector.shape_cast %get3A_329 : vector<1x16xf32> to vector<16xf32>
      %add3A_331 = arith.addf %add3A_322, %get3A_330 : vector<16xf32>
      %mul3A_332 = arith.constant 20 : i32
      %mul3A_333 = arith.muli %scan3A_107, %mul3A_332 : i32
      %add3A_334 = arith.constant 5 : i32
      %add3A_335 = arith.addi %mul3A_333, %add3A_334 : i32
      %get3A_336 = arith.index_cast %add3A_335 : i32 to index
      %get3A_337 = arith.constant 16 : index
      %get3A_338 = tpu.vector_load %arg6[%get3A_336, %get3A_337] {strides = array<i32>} : memref<640x64xf32, #tpu.memory_space<vmem>>, vector<1x16xf32>,
      %get3A_339 = vector.shape_cast %get3A_338 : vector<1x16xf32> to vector<16xf32>
      %add3A_340 = arith.addf %add3A_331, %get3A_339 : vector<16xf32>
      %mul3A_341 = arith.constant 20 : i32
      %mul3A_342 = arith.muli %scan3A_107, %mul3A_341 : i32
      %add3A_343 = arith.constant 6 : i32
      %add3A_344 = arith.addi %mul3A_342, %add3A_343 : i32
      %get3A_345 = arith.index_cast %add3A_344 : i32 to index
      %get3A_346 = arith.constant 16 : index
      %get3A_347 = tpu.vector_load %arg6[%get3A_345, %get3A_346] {strides = array<i32>} : memref<640x64xf32, #tpu.memory_space<vmem>>, vector<1x16xf32>,
      %get3A_348 = vector.shape_cast %get3A_347 : vector<1x16xf32> to vector<16xf32>
      %add3A_349 = arith.addf %add3A_340, %get3A_348 : vector<16xf32>
      %mul3A_350 = arith.constant 20 : i32
      %mul3A_351 = arith.muli %scan3A_107, %mul3A_350 : i32
      %add3A_352 = arith.constant 7 : i32
      %add3A_353 = arith.addi %mul3A_351, %add3A_352 : i32
      %get3A_354 = arith.index_cast %add3A_353 : i32 to index
      %get3A_355 = arith.constant 16 : index
      %get3A_356 = tpu.vector_load %arg6[%get3A_354, %get3A_355] {strides = array<i32>} : memref<640x64xf32, #tpu.memory_space<vmem>>, vector<1x16xf32>,
      %get3A_357 = vector.shape_cast %get3A_356 : vector<1x16xf32> to vector<16xf32>
      %add3A_358 = arith.addf %add3A_349, %get3A_357 : vector<16xf32>
      %mul3A_359 = arith.constant 20 : i32
      %mul3A_360 = arith.muli %scan3A_107, %mul3A_359 : i32
      %add3A_361 = arith.constant 8 : i32
      %add3A_362 = arith.addi %mul3A_360, %add3A_361 : i32
      %get3A_363 = arith.index_cast %add3A_362 : i32 to index
      %get3A_364 = arith.constant 16 : index
      %get3A_365 = tpu.vector_load %arg6[%get3A_363, %get3A_364] {strides = array<i32>} : memref<640x64xf32, #tpu.memory_space<vmem>>, vector<1x16xf32>,
      %get3A_366 = vector.shape_cast %get3A_365 : vector<1x16xf32> to vector<16xf32>
      %add3A_367 = arith.addf %add3A_358, %get3A_366 : vector<16xf32>
      %mul3A_368 = arith.constant 20 : i32
      %mul3A_369 = arith.muli %scan3A_107, %mul3A_368 : i32
      %add3A_370 = arith.constant 9 : i32
      %add3A_371 = arith.addi %mul3A_369, %add3A_370 : i32
      %get3A_372 = arith.index_cast %add3A_371 : i32 to index
      %get3A_373 = arith.constant 16 : index
      %get3A_374 = tpu.vector_load %arg6[%get3A_372, %get3A_373] {strides = array<i32>} : memref<640x64xf32, #tpu.memory_space<vmem>>, vector<1x16xf32>,
      %get3A_375 = vector.shape_cast %get3A_374 : vector<1x16xf32> to vector<16xf32>
      %add3A_376 = arith.addf %add3A_367, %get3A_375 : vector<16xf32>
      %mul3A_377 = arith.constant 20 : i32
      %mul3A_378 = arith.muli %scan3A_107, %mul3A_377 : i32
      %add3A_379 = arith.constant 10 : i32
      %add3A_380 = arith.addi %mul3A_378, %add3A_379 : i32
      %get3A_381 = arith.index_cast %add3A_380 : i32 to index
      %get3A_382 = arith.constant 16 : index
      %get3A_383 = tpu.vector_load %arg6[%get3A_381, %get3A_382] {strides = array<i32>} : memref<640x64xf32, #tpu.memory_space<vmem>>, vector<1x16xf32>,
      %get3A_384 = vector.shape_cast %get3A_383 : vector<1x16xf32> to vector<16xf32>
      %add3A_385 = arith.addf %add3A_376, %get3A_384 : vector<16xf32>
      %mul3A_386 = arith.constant 20 : i32
      %mul3A_387 = arith.muli %scan3A_107, %mul3A_386 : i32
      %add3A_388 = arith.constant 11 : i32
      %add3A_389 = arith.addi %mul3A_387, %add3A_388 : i32
      %get3A_390 = arith.index_cast %add3A_389 : i32 to index
      %get3A_391 = arith.constant 16 : index
      %get3A_392 = tpu.vector_load %arg6[%get3A_390, %get3A_391] {strides = array<i32>} : memref<640x64xf32, #tpu.memory_space<vmem>>, vector<1x16xf32>,
      %get3A_393 = vector.shape_cast %get3A_392 : vector<1x16xf32> to vector<16xf32>
      %add3A_394 = arith.addf %add3A_385, %get3A_393 : vector<16xf32>
      %mul3A_395 = arith.constant 20 : i32
      %mul3A_396 = arith.muli %scan3A_107, %mul3A_395 : i32
      %add3A_397 = arith.constant 12 : i32
      %add3A_398 = arith.addi %mul3A_396, %add3A_397 : i32
      %get3A_399 = arith.index_cast %add3A_398 : i32 to index
      %get3A_400 = arith.constant 16 : index
      %get3A_401 = tpu.vector_load %arg6[%get3A_399, %get3A_400] {strides = array<i32>} : memref<640x64xf32, #tpu.memory_space<vmem>>, vector<1x16xf32>,
      %get3A_402 = vector.shape_cast %get3A_401 : vector<1x16xf32> to vector<16xf32>
      %add3A_403 = arith.addf %add3A_394, %get3A_402 : vector<16xf32>
      %mul3A_404 = arith.constant 20 : i32
      %mul3A_405 = arith.muli %scan3A_107, %mul3A_404 : i32
      %add3A_406 = arith.constant 13 : i32
      %add3A_407 = arith.addi %mul3A_405, %add3A_406 : i32
      %get3A_408 = arith.index_cast %add3A_407 : i32 to index
      %get3A_409 = arith.constant 16 : index
      %get3A_410 = tpu.vector_load %arg6[%get3A_408, %get3A_409] {strides = array<i32>} : memref<640x64xf32, #tpu.memory_space<vmem>>, vector<1x16xf32>,
      %get3A_411 = vector.shape_cast %get3A_410 : vector<1x16xf32> to vector<16xf32>
      %add3A_412 = arith.addf %add3A_403, %get3A_411 : vector<16xf32>
      %mul3A_413 = arith.constant 20 : i32
      %mul3A_414 = arith.muli %scan3A_107, %mul3A_413 : i32
      %add3A_415 = arith.constant 14 : i32
      %add3A_416 = arith.addi %mul3A_414, %add3A_415 : i32
      %get3A_417 = arith.index_cast %add3A_416 : i32 to index
      %get3A_418 = arith.constant 16 : index
      %get3A_419 = tpu.vector_load %arg6[%get3A_417, %get3A_418] {strides = array<i32>} : memref<640x64xf32, #tpu.memory_space<vmem>>, vector<1x16xf32>,
      %get3A_420 = vector.shape_cast %get3A_419 : vector<1x16xf32> to vector<16xf32>
      %add3A_421 = arith.addf %add3A_412, %get3A_420 : vector<16xf32>
      %mul3A_422 = arith.constant 20 : i32
      %mul3A_423 = arith.muli %scan3A_107, %mul3A_422 : i32
      %add3A_424 = arith.constant 15 : i32
      %add3A_425 = arith.addi %mul3A_423, %add3A_424 : i32
      %get3A_426 = arith.index_cast %add3A_425 : i32 to index
      %get3A_427 = arith.constant 16 : index
      %get3A_428 = tpu.vector_load %arg6[%get3A_426, %get3A_427] {strides = array<i32>} : memref<640x64xf32, #tpu.memory_space<vmem>>, vector<1x16xf32>,
      %get3A_429 = vector.shape_cast %get3A_428 : vector<1x16xf32> to vector<16xf32>
      %add3A_430 = arith.addf %add3A_421, %get3A_429 : vector<16xf32>
      %mul3A_431 = arith.constant 20 : i32
      %mul3A_432 = arith.muli %scan3A_107, %mul3A_431 : i32
      %add3A_433 = arith.constant 16 : i32
      %add3A_434 = arith.addi %mul3A_432, %add3A_433 : i32
      %get3A_435 = arith.index_cast %add3A_434 : i32 to index
      %get3A_436 = arith.constant 16 : index
      %get3A_437 = tpu.vector_load %arg6[%get3A_435, %get3A_436] {strides = array<i32>} : memref<640x64xf32, #tpu.memory_space<vmem>>, vector<1x16xf32>,
      %get3A_438 = vector.shape_cast %get3A_437 : vector<1x16xf32> to vector<16xf32>
      %add3A_439 = arith.addf %add3A_430, %get3A_438 : vector<16xf32>
      %mul3A_440 = arith.constant 20 : i32
      %mul3A_441 = arith.muli %scan3A_107, %mul3A_440 : i32
      %add3A_442 = arith.constant 17 : i32
      %add3A_443 = arith.addi %mul3A_441, %add3A_442 : i32
      %get3A_444 = arith.index_cast %add3A_443 : i32 to index
      %get3A_445 = arith.constant 16 : index
      %get3A_446 = tpu.vector_load %arg6[%get3A_444, %get3A_445] {strides = array<i32>} : memref<640x64xf32, #tpu.memory_space<vmem>>, vector<1x16xf32>,
      %get3A_447 = vector.shape_cast %get3A_446 : vector<1x16xf32> to vector<16xf32>
      %add3A_448 = arith.addf %add3A_439, %get3A_447 : vector<16xf32>
      %mul3A_449 = arith.constant 20 : i32
      %mul3A_450 = arith.muli %scan3A_107, %mul3A_449 : i32
      %add3A_451 = arith.constant 18 : i32
      %add3A_452 = arith.addi %mul3A_450, %add3A_451 : i32
      %get3A_453 = arith.index_cast %add3A_452 : i32 to index
      %get3A_454 = arith.constant 16 : index
      %get3A_455 = tpu.vector_load %arg6[%get3A_453, %get3A_454] {strides = array<i32>} : memref<640x64xf32, #tpu.memory_space<vmem>>, vector<1x16xf32>,
      %get3A_456 = vector.shape_cast %get3A_455 : vector<1x16xf32> to vector<16xf32>
      %add3A_457 = arith.addf %add3A_448, %get3A_456 : vector<16xf32>
      %mul3A_458 = arith.constant 20 : i32
      %mul3A_459 = arith.muli %scan3A_107, %mul3A_458 : i32
      %add3A_460 = arith.constant 19 : i32
      %add3A_461 = arith.addi %mul3A_459, %add3A_460 : i32
      %get3A_462 = arith.index_cast %add3A_461 : i32 to index
      %get3A_463 = arith.constant 16 : index
      %get3A_464 = tpu.vector_load %arg6[%get3A_462, %get3A_463] {strides = array<i32>} : memref<640x64xf32, #tpu.memory_space<vmem>>, vector<1x16xf32>,
      %get3A_465 = vector.shape_cast %get3A_464 : vector<1x16xf32> to vector<16xf32>
      %add3A_466 = arith.addf %add3A_457, %get3A_465 : vector<16xf32>
      %mul3A_467 = vector.broadcast %scan3A_99 : f32 to vector<16xf32>
      %mul3A_468 = arith.mulf %add3A_466, %mul3A_467 : vector<16xf32>
      %swap3A_469 = arith.index_cast %scan3A_107 : i32 to index
      %swap3A_470 = arith.constant 16 : index
      %swap3A_471 = tpu.vector_load %arg7[%swap3A_469, %swap3A_470] {strides = array<i32>} : memref<32x64xf32, #tpu.memory_space<vmem>>, vector<1x16xf32>,
      %swap3A_472 = vector.shape_cast %swap3A_471 : vector<1x16xf32> to vector<16xf32>
      %swap3A_473 = vector.shape_cast %mul3A_468 : vector<16xf32> to vector<1x16xf32>
      tpu.vector_store %arg7[%swap3A_469, %swap3A_470], %swap3A_473 {strides = array<i32>} : memref<32x64xf32, #tpu.memory_space<vmem>>, vector<1x16xf32>,
      %mul3A_474 = arith.constant 20 : i32
      %mul3A_475 = arith.muli %scan3A_107, %mul3A_474 : i32
      %get3A_476 = arith.index_cast %mul3A_475 : i32 to index
      %get3A_477 = arith.constant 32 : index
      %get3A_478 = tpu.vector_load %arg6[%get3A_476, %get3A_477] {strides = array<i32>} : memref<640x64xf32, #tpu.memory_space<vmem>>, vector<1x16xf32>,
      %get3A_479 = vector.shape_cast %get3A_478 : vector<1x16xf32> to vector<16xf32>
      %mul3A_480 = arith.constant 20 : i32
      %mul3A_481 = arith.muli %scan3A_107, %mul3A_480 : i32
      %add3A_482 = arith.constant 1 : i32
      %add3A_483 = arith.addi %mul3A_481, %add3A_482 : i32
      %get3A_484 = arith.index_cast %add3A_483 : i32 to index
      %get3A_485 = arith.constant 32 : index
      %get3A_486 = tpu.vector_load %arg6[%get3A_484, %get3A_485] {strides = array<i32>} : memref<640x64xf32, #tpu.memory_space<vmem>>, vector<1x16xf32>,
      %get3A_487 = vector.shape_cast %get3A_486 : vector<1x16xf32> to vector<16xf32>
      %add3A_488 = arith.addf %get3A_479, %get3A_487 : vector<16xf32>
      %mul3A_489 = arith.constant 20 : i32
      %mul3A_490 = arith.muli %scan3A_107, %mul3A_489 : i32
      %add3A_491 = arith.constant 2 : i32
      %add3A_492 = arith.addi %mul3A_490, %add3A_491 : i32
      %get3A_493 = arith.index_cast %add3A_492 : i32 to index
      %get3A_494 = arith.constant 32 : index
      %get3A_495 = tpu.vector_load %arg6[%get3A_493, %get3A_494] {strides = array<i32>} : memref<640x64xf32, #tpu.memory_space<vmem>>, vector<1x16xf32>,
      %get3A_496 = vector.shape_cast %get3A_495 : vector<1x16xf32> to vector<16xf32>
      %add3A_497 = arith.addf %add3A_488, %get3A_496 : vector<16xf32>
      %mul3A_498 = arith.constant 20 : i32
      %mul3A_499 = arith.muli %scan3A_107, %mul3A_498 : i32
      %add3A_500 = arith.constant 3 : i32
      %add3A_501 = arith.addi %mul3A_499, %add3A_500 : i32
      %get3A_502 = arith.index_cast %add3A_501 : i32 to index
      %get3A_503 = arith.constant 32 : index
      %get3A_504 = tpu.vector_load %arg6[%get3A_502, %get3A_503] {strides = array<i32>} : memref<640x64xf32, #tpu.memory_space<vmem>>, vector<1x16xf32>,
      %get3A_505 = vector.shape_cast %get3A_504 : vector<1x16xf32> to vector<16xf32>
      %add3A_506 = arith.addf %add3A_497, %get3A_505 : vector<16xf32>
      %mul3A_507 = arith.constant 20 : i32
      %mul3A_508 = arith.muli %scan3A_107, %mul3A_507 : i32
      %add3A_509 = arith.constant 4 : i32
      %add3A_510 = arith.addi %mul3A_508, %add3A_509 : i32
      %get3A_511 = arith.index_cast %add3A_510 : i32 to index
      %get3A_512 = arith.constant 32 : index
      %get3A_513 = tpu.vector_load %arg6[%get3A_511, %get3A_512] {strides = array<i32>} : memref<640x64xf32, #tpu.memory_space<vmem>>, vector<1x16xf32>,
      %get3A_514 = vector.shape_cast %get3A_513 : vector<1x16xf32> to vector<16xf32>
      %add3A_515 = arith.addf %add3A_506, %get3A_514 : vector<16xf32>
      %mul3A_516 = arith.constant 20 : i32
      %mul3A_517 = arith.muli %scan3A_107, %mul3A_516 : i32
      %add3A_518 = arith.constant 5 : i32
      %add3A_519 = arith.addi %mul3A_517, %add3A_518 : i32
      %get3A_520 = arith.index_cast %add3A_519 : i32 to index
      %get3A_521 = arith.constant 32 : index
      %get3A_522 = tpu.vector_load %arg6[%get3A_520, %get3A_521] {strides = array<i32>} : memref<640x64xf32, #tpu.memory_space<vmem>>, vector<1x16xf32>,
      %get3A_523 = vector.shape_cast %get3A_522 : vector<1x16xf32> to vector<16xf32>
      %add3A_524 = arith.addf %add3A_515, %get3A_523 : vector<16xf32>
      %mul3A_525 = arith.constant 20 : i32
      %mul3A_526 = arith.muli %scan3A_107, %mul3A_525 : i32
      %add3A_527 = arith.constant 6 : i32
      %add3A_528 = arith.addi %mul3A_526, %add3A_527 : i32
      %get3A_529 = arith.index_cast %add3A_528 : i32 to index
      %get3A_530 = arith.constant 32 : index
      %get3A_531 = tpu.vector_load %arg6[%get3A_529, %get3A_530] {strides = array<i32>} : memref<640x64xf32, #tpu.memory_space<vmem>>, vector<1x16xf32>,
      %get3A_532 = vector.shape_cast %get3A_531 : vector<1x16xf32> to vector<16xf32>
      %add3A_533 = arith.addf %add3A_524, %get3A_532 : vector<16xf32>
      %mul3A_534 = arith.constant 20 : i32
      %mul3A_535 = arith.muli %scan3A_107, %mul3A_534 : i32
      %add3A_536 = arith.constant 7 : i32
      %add3A_537 = arith.addi %mul3A_535, %add3A_536 : i32
      %get3A_538 = arith.index_cast %add3A_537 : i32 to index
      %get3A_539 = arith.constant 32 : index
      %get3A_540 = tpu.vector_load %arg6[%get3A_538, %get3A_539] {strides = array<i32>} : memref<640x64xf32, #tpu.memory_space<vmem>>, vector<1x16xf32>,
      %get3A_541 = vector.shape_cast %get3A_540 : vector<1x16xf32> to vector<16xf32>
      %add3A_542 = arith.addf %add3A_533, %get3A_541 : vector<16xf32>
      %mul3A_543 = arith.constant 20 : i32
      %mul3A_544 = arith.muli %scan3A_107, %mul3A_543 : i32
      %add3A_545 = arith.constant 8 : i32
      %add3A_546 = arith.addi %mul3A_544, %add3A_545 : i32
      %get3A_547 = arith.index_cast %add3A_546 : i32 to index
      %get3A_548 = arith.constant 32 : index
      %get3A_549 = tpu.vector_load %arg6[%get3A_547, %get3A_548] {strides = array<i32>} : memref<640x64xf32, #tpu.memory_space<vmem>>, vector<1x16xf32>,
      %get3A_550 = vector.shape_cast %get3A_549 : vector<1x16xf32> to vector<16xf32>
      %add3A_551 = arith.addf %add3A_542, %get3A_550 : vector<16xf32>
      %mul3A_552 = arith.constant 20 : i32
      %mul3A_553 = arith.muli %scan3A_107, %mul3A_552 : i32
      %add3A_554 = arith.constant 9 : i32
      %add3A_555 = arith.addi %mul3A_553, %add3A_554 : i32
      %get3A_556 = arith.index_cast %add3A_555 : i32 to index
      %get3A_557 = arith.constant 32 : index
      %get3A_558 = tpu.vector_load %arg6[%get3A_556, %get3A_557] {strides = array<i32>} : memref<640x64xf32, #tpu.memory_space<vmem>>, vector<1x16xf32>,
      %get3A_559 = vector.shape_cast %get3A_558 : vector<1x16xf32> to vector<16xf32>
      %add3A_560 = arith.addf %add3A_551, %get3A_559 : vector<16xf32>
      %mul3A_561 = arith.constant 20 : i32
      %mul3A_562 = arith.muli %scan3A_107, %mul3A_561 : i32
      %add3A_563 = arith.constant 10 : i32
      %add3A_564 = arith.addi %mul3A_562, %add3A_563 : i32
      %get3A_565 = arith.index_cast %add3A_564 : i32 to index
      %get3A_566 = arith.constant 32 : index
      %get3A_567 = tpu.vector_load %arg6[%get3A_565, %get3A_566] {strides = array<i32>} : memref<640x64xf32, #tpu.memory_space<vmem>>, vector<1x16xf32>,
      %get3A_568 = vector.shape_cast %get3A_567 : vector<1x16xf32> to vector<16xf32>
      %add3A_569 = arith.addf %add3A_560, %get3A_568 : vector<16xf32>
      %mul3A_570 = arith.constant 20 : i32
      %mul3A_571 = arith.muli %scan3A_107, %mul3A_570 : i32
      %add3A_572 = arith.constant 11 : i32
      %add3A_573 = arith.addi %mul3A_571, %add3A_572 : i32
      %get3A_574 = arith.index_cast %add3A_573 : i32 to index
      %get3A_575 = arith.constant 32 : index
      %get3A_576 = tpu.vector_load %arg6[%get3A_574, %get3A_575] {strides = array<i32>} : memref<640x64xf32, #tpu.memory_space<vmem>>, vector<1x16xf32>,
      %get3A_577 = vector.shape_cast %get3A_576 : vector<1x16xf32> to vector<16xf32>
      %add3A_578 = arith.addf %add3A_569, %get3A_577 : vector<16xf32>
      %mul3A_579 = arith.constant 20 : i32
      %mul3A_580 = arith.muli %scan3A_107, %mul3A_579 : i32
      %add3A_581 = arith.constant 12 : i32
      %add3A_582 = arith.addi %mul3A_580, %add3A_581 : i32
      %get3A_583 = arith.index_cast %add3A_582 : i32 to index
      %get3A_584 = arith.constant 32 : index
      %get3A_585 = tpu.vector_load %arg6[%get3A_583, %get3A_584] {strides = array<i32>} : memref<640x64xf32, #tpu.memory_space<vmem>>, vector<1x16xf32>,
      %get3A_586 = vector.shape_cast %get3A_585 : vector<1x16xf32> to vector<16xf32>
      %add3A_587 = arith.addf %add3A_578, %get3A_586 : vector<16xf32>
      %mul3A_588 = arith.constant 20 : i32
      %mul3A_589 = arith.muli %scan3A_107, %mul3A_588 : i32
      %add3A_590 = arith.constant 13 : i32
      %add3A_591 = arith.addi %mul3A_589, %add3A_590 : i32
      %get3A_592 = arith.index_cast %add3A_591 : i32 to index
      %get3A_593 = arith.constant 32 : index
      %get3A_594 = tpu.vector_load %arg6[%get3A_592, %get3A_593] {strides = array<i32>} : memref<640x64xf32, #tpu.memory_space<vmem>>, vector<1x16xf32>,
      %get3A_595 = vector.shape_cast %get3A_594 : vector<1x16xf32> to vector<16xf32>
      %add3A_596 = arith.addf %add3A_587, %get3A_595 : vector<16xf32>
      %mul3A_597 = arith.constant 20 : i32
      %mul3A_598 = arith.muli %scan3A_107, %mul3A_597 : i32
      %add3A_599 = arith.constant 14 : i32
      %add3A_600 = arith.addi %mul3A_598, %add3A_599 : i32
      %get3A_601 = arith.index_cast %add3A_600 : i32 to index
      %get3A_602 = arith.constant 32 : index
      %get3A_603 = tpu.vector_load %arg6[%get3A_601, %get3A_602] {strides = array<i32>} : memref<640x64xf32, #tpu.memory_space<vmem>>, vector<1x16xf32>,
      %get3A_604 = vector.shape_cast %get3A_603 : vector<1x16xf32> to vector<16xf32>
      %add3A_605 = arith.addf %add3A_596, %get3A_604 : vector<16xf32>
      %mul3A_606 = arith.constant 20 : i32
      %mul3A_607 = arith.muli %scan3A_107, %mul3A_606 : i32
      %add3A_608 = arith.constant 15 : i32
      %add3A_609 = arith.addi %mul3A_607, %add3A_608 : i32
      %get3A_610 = arith.index_cast %add3A_609 : i32 to index
      %get3A_611 = arith.constant 32 : index
      %get3A_612 = tpu.vector_load %arg6[%get3A_610, %get3A_611] {strides = array<i32>} : memref<640x64xf32, #tpu.memory_space<vmem>>, vector<1x16xf32>,
      %get3A_613 = vector.shape_cast %get3A_612 : vector<1x16xf32> to vector<16xf32>
      %add3A_614 = arith.addf %add3A_605, %get3A_613 : vector<16xf32>
      %mul3A_615 = arith.constant 20 : i32
      %mul3A_616 = arith.muli %scan3A_107, %mul3A_615 : i32
      %add3A_617 = arith.constant 16 : i32
      %add3A_618 = arith.addi %mul3A_616, %add3A_617 : i32
      %get3A_619 = arith.index_cast %add3A_618 : i32 to index
      %get3A_620 = arith.constant 32 : index
      %get3A_621 = tpu.vector_load %arg6[%get3A_619, %get3A_620] {strides = array<i32>} : memref<640x64xf32, #tpu.memory_space<vmem>>, vector<1x16xf32>,
      %get3A_622 = vector.shape_cast %get3A_621 : vector<1x16xf32> to vector<16xf32>
      %add3A_623 = arith.addf %add3A_614, %get3A_622 : vector<16xf32>
      %mul3A_624 = arith.constant 20 : i32
      %mul3A_625 = arith.muli %scan3A_107, %mul3A_624 : i32
      %add3A_626 = arith.constant 17 : i32
      %add3A_627 = arith.addi %mul3A_625, %add3A_626 : i32
      %get3A_628 = arith.index_cast %add3A_627 : i32 to index
      %get3A_629 = arith.constant 32 : index
      %get3A_630 = tpu.vector_load %arg6[%get3A_628, %get3A_629] {strides = array<i32>} : memref<640x64xf32, #tpu.memory_space<vmem>>, vector<1x16xf32>,
      %get3A_631 = vector.shape_cast %get3A_630 : vector<1x16xf32> to vector<16xf32>
      %add3A_632 = arith.addf %add3A_623, %get3A_631 : vector<16xf32>
      %mul3A_633 = arith.constant 20 : i32
      %mul3A_634 = arith.muli %scan3A_107, %mul3A_633 : i32
      %add3A_635 = arith.constant 18 : i32
      %add3A_636 = arith.addi %mul3A_634, %add3A_635 : i32
      %get3A_637 = arith.index_cast %add3A_636 : i32 to index
      %get3A_638 = arith.constant 32 : index
      %get3A_639 = tpu.vector_load %arg6[%get3A_637, %get3A_638] {strides = array<i32>} : memref<640x64xf32, #tpu.memory_space<vmem>>, vector<1x16xf32>,
      %get3A_640 = vector.shape_cast %get3A_639 : vector<1x16xf32> to vector<16xf32>
      %add3A_641 = arith.addf %add3A_632, %get3A_640 : vector<16xf32>
      %mul3A_642 = arith.constant 20 : i32
      %mul3A_643 = arith.muli %scan3A_107, %mul3A_642 : i32
      %add3A_644 = arith.constant 19 : i32
      %add3A_645 = arith.addi %mul3A_643, %add3A_644 : i32
      %get3A_646 = arith.index_cast %add3A_645 : i32 to index
      %get3A_647 = arith.constant 32 : index
      %get3A_648 = tpu.vector_load %arg6[%get3A_646, %get3A_647] {strides = array<i32>} : memref<640x64xf32, #tpu.memory_space<vmem>>, vector<1x16xf32>,
      %get3A_649 = vector.shape_cast %get3A_648 : vector<1x16xf32> to vector<16xf32>
      %add3A_650 = arith.addf %add3A_641, %get3A_649 : vector<16xf32>
      %mul3A_651 = vector.broadcast %scan3A_99 : f32 to vector<16xf32>
      %mul3A_652 = arith.mulf %add3A_650, %mul3A_651 : vector<16xf32>
      %swap3A_653 = arith.index_cast %scan3A_107 : i32 to index
      %swap3A_654 = arith.constant 32 : index
      %swap3A_655 = tpu.vector_load %arg7[%swap3A_653, %swap3A_654] {strides = array<i32>} : memref<32x64xf32, #tpu.memory_space<vmem>>, vector<1x16xf32>,
      %swap3A_656 = vector.shape_cast %swap3A_655 : vector<1x16xf32> to vector<16xf32>
      %swap3A_657 = vector.shape_cast %mul3A_652 : vector<16xf32> to vector<1x16xf32>
      tpu.vector_store %arg7[%swap3A_653, %swap3A_654], %swap3A_657 {strides = array<i32>} : memref<32x64xf32, #tpu.memory_space<vmem>>, vector<1x16xf32>,
      %mul3A_658 = arith.constant 20 : i32
      %mul3A_659 = arith.muli %scan3A_107, %mul3A_658 : i32
      %get3A_660 = arith.index_cast %mul3A_659 : i32 to index
      %get3A_661 = arith.constant 48 : index
      %get3A_662 = tpu.vector_load %arg6[%get3A_660, %get3A_661] {strides = array<i32>} : memref<640x64xf32, #tpu.memory_space<vmem>>, vector<1x16xf32>,
      %get3A_663 = vector.shape_cast %get3A_662 : vector<1x16xf32> to vector<16xf32>
      %mul3A_664 = arith.constant 20 : i32
      %mul3A_665 = arith.muli %scan3A_107, %mul3A_664 : i32
      %add3A_666 = arith.constant 1 : i32
      %add3A_667 = arith.addi %mul3A_665, %add3A_666 : i32
      %get3A_668 = arith.index_cast %add3A_667 : i32 to index
      %get3A_669 = arith.constant 48 : index
      %get3A_670 = tpu.vector_load %arg6[%get3A_668, %get3A_669] {strides = array<i32>} : memref<640x64xf32, #tpu.memory_space<vmem>>, vector<1x16xf32>,
      %get3A_671 = vector.shape_cast %get3A_670 : vector<1x16xf32> to vector<16xf32>
      %add3A_672 = arith.addf %get3A_663, %get3A_671 : vector<16xf32>
      %mul3A_673 = arith.constant 20 : i32
      %mul3A_674 = arith.muli %scan3A_107, %mul3A_673 : i32
      %add3A_675 = arith.constant 2 : i32
      %add3A_676 = arith.addi %mul3A_674, %add3A_675 : i32
      %get3A_677 = arith.index_cast %add3A_676 : i32 to index
      %get3A_678 = arith.constant 48 : index
      %get3A_679 = tpu.vector_load %arg6[%get3A_677, %get3A_678] {strides = array<i32>} : memref<640x64xf32, #tpu.memory_space<vmem>>, vector<1x16xf32>,
      %get3A_680 = vector.shape_cast %get3A_679 : vector<1x16xf32> to vector<16xf32>
      %add3A_681 = arith.addf %add3A_672, %get3A_680 : vector<16xf32>
      %mul3A_682 = arith.constant 20 : i32
      %mul3A_683 = arith.muli %scan3A_107, %mul3A_682 : i32
      %add3A_684 = arith.constant 3 : i32
      %add3A_685 = arith.addi %mul3A_683, %add3A_684 : i32
      %get3A_686 = arith.index_cast %add3A_685 : i32 to index
      %get3A_687 = arith.constant 48 : index
      %get3A_688 = tpu.vector_load %arg6[%get3A_686, %get3A_687] {strides = array<i32>} : memref<640x64xf32, #tpu.memory_space<vmem>>, vector<1x16xf32>,
      %get3A_689 = vector.shape_cast %get3A_688 : vector<1x16xf32> to vector<16xf32>
      %add3A_690 = arith.addf %add3A_681, %get3A_689 : vector<16xf32>
      %mul3A_691 = arith.constant 20 : i32
      %mul3A_692 = arith.muli %scan3A_107, %mul3A_691 : i32
      %add3A_693 = arith.constant 4 : i32
      %add3A_694 = arith.addi %mul3A_692, %add3A_693 : i32
      %get3A_695 = arith.index_cast %add3A_694 : i32 to index
      %get3A_696 = arith.constant 48 : index
      %get3A_697 = tpu.vector_load %arg6[%get3A_695, %get3A_696] {strides = array<i32>} : memref<640x64xf32, #tpu.memory_space<vmem>>, vector<1x16xf32>,
      %get3A_698 = vector.shape_cast %get3A_697 : vector<1x16xf32> to vector<16xf32>
      %add3A_699 = arith.addf %add3A_690, %get3A_698 : vector<16xf32>
      %mul3A_700 = arith.constant 20 : i32
      %mul3A_701 = arith.muli %scan3A_107, %mul3A_700 : i32
      %add3A_702 = arith.constant 5 : i32
      %add3A_703 = arith.addi %mul3A_701, %add3A_702 : i32
      %get3A_704 = arith.index_cast %add3A_703 : i32 to index
      %get3A_705 = arith.constant 48 : index
      %get3A_706 = tpu.vector_load %arg6[%get3A_704, %get3A_705] {strides = array<i32>} : memref<640x64xf32, #tpu.memory_space<vmem>>, vector<1x16xf32>,
      %get3A_707 = vector.shape_cast %get3A_706 : vector<1x16xf32> to vector<16xf32>
      %add3A_708 = arith.addf %add3A_699, %get3A_707 : vector<16xf32>
      %mul3A_709 = arith.constant 20 : i32
      %mul3A_710 = arith.muli %scan3A_107, %mul3A_709 : i32
      %add3A_711 = arith.constant 6 : i32
      %add3A_712 = arith.addi %mul3A_710, %add3A_711 : i32
      %get3A_713 = arith.index_cast %add3A_712 : i32 to index
      %get3A_714 = arith.constant 48 : index
      %get3A_715 = tpu.vector_load %arg6[%get3A_713, %get3A_714] {strides = array<i32>} : memref<640x64xf32, #tpu.memory_space<vmem>>, vector<1x16xf32>,
      %get3A_716 = vector.shape_cast %get3A_715 : vector<1x16xf32> to vector<16xf32>
      %add3A_717 = arith.addf %add3A_708, %get3A_716 : vector<16xf32>
      %mul3A_718 = arith.constant 20 : i32
      %mul3A_719 = arith.muli %scan3A_107, %mul3A_718 : i32
      %add3A_720 = arith.constant 7 : i32
      %add3A_721 = arith.addi %mul3A_719, %add3A_720 : i32
      %get3A_722 = arith.index_cast %add3A_721 : i32 to index
      %get3A_723 = arith.constant 48 : index
      %get3A_724 = tpu.vector_load %arg6[%get3A_722, %get3A_723] {strides = array<i32>} : memref<640x64xf32, #tpu.memory_space<vmem>>, vector<1x16xf32>,
      %get3A_725 = vector.shape_cast %get3A_724 : vector<1x16xf32> to vector<16xf32>
      %add3A_726 = arith.addf %add3A_717, %get3A_725 : vector<16xf32>
      %mul3A_727 = arith.constant 20 : i32
      %mul3A_728 = arith.muli %scan3A_107, %mul3A_727 : i32
      %add3A_729 = arith.constant 8 : i32
      %add3A_730 = arith.addi %mul3A_728, %add3A_729 : i32
      %get3A_731 = arith.index_cast %add3A_730 : i32 to index
      %get3A_732 = arith.constant 48 : index
      %get3A_733 = tpu.vector_load %arg6[%get3A_731, %get3A_732] {strides = array<i32>} : memref<640x64xf32, #tpu.memory_space<vmem>>, vector<1x16xf32>,
      %get3A_734 = vector.shape_cast %get3A_733 : vector<1x16xf32> to vector<16xf32>
      %add3A_735 = arith.addf %add3A_726, %get3A_734 : vector<16xf32>
      %mul3A_736 = arith.constant 20 : i32
      %mul3A_737 = arith.muli %scan3A_107, %mul3A_736 : i32
      %add3A_738 = arith.constant 9 : i32
      %add3A_739 = arith.addi %mul3A_737, %add3A_738 : i32
      %get3A_740 = arith.index_cast %add3A_739 : i32 to index
      %get3A_741 = arith.constant 48 : index
      %get3A_742 = tpu.vector_load %arg6[%get3A_740, %get3A_741] {strides = array<i32>} : memref<640x64xf32, #tpu.memory_space<vmem>>, vector<1x16xf32>,
      %get3A_743 = vector.shape_cast %get3A_742 : vector<1x16xf32> to vector<16xf32>
      %add3A_744 = arith.addf %add3A_735, %get3A_743 : vector<16xf32>
      %mul3A_745 = arith.constant 20 : i32
      %mul3A_746 = arith.muli %scan3A_107, %mul3A_745 : i32
      %add3A_747 = arith.constant 10 : i32
      %add3A_748 = arith.addi %mul3A_746, %add3A_747 : i32
      %get3A_749 = arith.index_cast %add3A_748 : i32 to index
      %get3A_750 = arith.constant 48 : index
      %get3A_751 = tpu.vector_load %arg6[%get3A_749, %get3A_750] {strides = array<i32>} : memref<640x64xf32, #tpu.memory_space<vmem>>, vector<1x16xf32>,
      %get3A_752 = vector.shape_cast %get3A_751 : vector<1x16xf32> to vector<16xf32>
      %add3A_753 = arith.addf %add3A_744, %get3A_752 : vector<16xf32>
      %mul3A_754 = arith.constant 20 : i32
      %mul3A_755 = arith.muli %scan3A_107, %mul3A_754 : i32
      %add3A_756 = arith.constant 11 : i32
      %add3A_757 = arith.addi %mul3A_755, %add3A_756 : i32
      %get3A_758 = arith.index_cast %add3A_757 : i32 to index
      %get3A_759 = arith.constant 48 : index
      %get3A_760 = tpu.vector_load %arg6[%get3A_758, %get3A_759] {strides = array<i32>} : memref<640x64xf32, #tpu.memory_space<vmem>>, vector<1x16xf32>,
      %get3A_761 = vector.shape_cast %get3A_760 : vector<1x16xf32> to vector<16xf32>
      %add3A_762 = arith.addf %add3A_753, %get3A_761 : vector<16xf32>
      %mul3A_763 = arith.constant 20 : i32
      %mul3A_764 = arith.muli %scan3A_107, %mul3A_763 : i32
      %add3A_765 = arith.constant 12 : i32
      %add3A_766 = arith.addi %mul3A_764, %add3A_765 : i32
      %get3A_767 = arith.index_cast %add3A_766 : i32 to index
      %get3A_768 = arith.constant 48 : index
      %get3A_769 = tpu.vector_load %arg6[%get3A_767, %get3A_768] {strides = array<i32>} : memref<640x64xf32, #tpu.memory_space<vmem>>, vector<1x16xf32>,
      %get3A_770 = vector.shape_cast %get3A_769 : vector<1x16xf32> to vector<16xf32>
      %add3A_771 = arith.addf %add3A_762, %get3A_770 : vector<16xf32>
      %mul3A_772 = arith.constant 20 : i32
      %mul3A_773 = arith.muli %scan3A_107, %mul3A_772 : i32
      %add3A_774 = arith.constant 13 : i32
      %add3A_775 = arith.addi %mul3A_773, %add3A_774 : i32
      %get3A_776 = arith.index_cast %add3A_775 : i32 to index
      %get3A_777 = arith.constant 48 : index
      %get3A_778 = tpu.vector_load %arg6[%get3A_776, %get3A_777] {strides = array<i32>} : memref<640x64xf32, #tpu.memory_space<vmem>>, vector<1x16xf32>,
      %get3A_779 = vector.shape_cast %get3A_778 : vector<1x16xf32> to vector<16xf32>
      %add3A_780 = arith.addf %add3A_771, %get3A_779 : vector<16xf32>
      %mul3A_781 = arith.constant 20 : i32
      %mul3A_782 = arith.muli %scan3A_107, %mul3A_781 : i32
      %add3A_783 = arith.constant 14 : i32
      %add3A_784 = arith.addi %mul3A_782, %add3A_783 : i32
      %get3A_785 = arith.index_cast %add3A_784 : i32 to index
      %get3A_786 = arith.constant 48 : index
      %get3A_787 = tpu.vector_load %arg6[%get3A_785, %get3A_786] {strides = array<i32>} : memref<640x64xf32, #tpu.memory_space<vmem>>, vector<1x16xf32>,
      %get3A_788 = vector.shape_cast %get3A_787 : vector<1x16xf32> to vector<16xf32>
      %add3A_789 = arith.addf %add3A_780, %get3A_788 : vector<16xf32>
      %mul3A_790 = arith.constant 20 : i32
      %mul3A_791 = arith.muli %scan3A_107, %mul3A_790 : i32
      %add3A_792 = arith.constant 15 : i32
      %add3A_793 = arith.addi %mul3A_791, %add3A_792 : i32
      %get3A_794 = arith.index_cast %add3A_793 : i32 to index
      %get3A_795 = arith.constant 48 : index
      %get3A_796 = tpu.vector_load %arg6[%get3A_794, %get3A_795] {strides = array<i32>} : memref<640x64xf32, #tpu.memory_space<vmem>>, vector<1x16xf32>,
      %get3A_797 = vector.shape_cast %get3A_796 : vector<1x16xf32> to vector<16xf32>
      %add3A_798 = arith.addf %add3A_789, %get3A_797 : vector<16xf32>
      %mul3A_799 = arith.constant 20 : i32
      %mul3A_800 = arith.muli %scan3A_107, %mul3A_799 : i32
      %add3A_801 = arith.constant 16 : i32
      %add3A_802 = arith.addi %mul3A_800, %add3A_801 : i32
      %get3A_803 = arith.index_cast %add3A_802 : i32 to index
      %get3A_804 = arith.constant 48 : index
      %get3A_805 = tpu.vector_load %arg6[%get3A_803, %get3A_804] {strides = array<i32>} : memref<640x64xf32, #tpu.memory_space<vmem>>, vector<1x16xf32>,
      %get3A_806 = vector.shape_cast %get3A_805 : vector<1x16xf32> to vector<16xf32>
      %add3A_807 = arith.addf %add3A_798, %get3A_806 : vector<16xf32>
      %mul3A_808 = arith.constant 20 : i32
      %mul3A_809 = arith.muli %scan3A_107, %mul3A_808 : i32
      %add3A_810 = arith.constant 17 : i32
      %add3A_811 = arith.addi %mul3A_809, %add3A_810 : i32
      %get3A_812 = arith.index_cast %add3A_811 : i32 to index
      %get3A_813 = arith.constant 48 : index
      %get3A_814 = tpu.vector_load %arg6[%get3A_812, %get3A_813] {strides = array<i32>} : memref<640x64xf32, #tpu.memory_space<vmem>>, vector<1x16xf32>,
      %get3A_815 = vector.shape_cast %get3A_814 : vector<1x16xf32> to vector<16xf32>
      %add3A_816 = arith.addf %add3A_807, %get3A_815 : vector<16xf32>
      %mul3A_817 = arith.constant 20 : i32
      %mul3A_818 = arith.muli %scan3A_107, %mul3A_817 : i32
      %add3A_819 = arith.constant 18 : i32
      %add3A_820 = arith.addi %mul3A_818, %add3A_819 : i32
      %get3A_821 = arith.index_cast %add3A_820 : i32 to index
      %get3A_822 = arith.constant 48 : index
      %get3A_823 = tpu.vector_load %arg6[%get3A_821, %get3A_822] {strides = array<i32>} : memref<640x64xf32, #tpu.memory_space<vmem>>, vector<1x16xf32>,
      %get3A_824 = vector.shape_cast %get3A_823 : vector<1x16xf32> to vector<16xf32>
      %add3A_825 = arith.addf %add3A_816, %get3A_824 : vector<16xf32>
      %mul3A_826 = arith.constant 20 : i32
      %mul3A_827 = arith.muli %scan3A_107, %mul3A_826 : i32
      %add3A_828 = arith.constant 19 : i32
      %add3A_829 = arith.addi %mul3A_827, %add3A_828 : i32
      %get3A_830 = arith.index_cast %add3A_829 : i32 to index
      %get3A_831 = arith.constant 48 : index
      %get3A_832 = tpu.vector_load %arg6[%get3A_830, %get3A_831] {strides = array<i32>} : memref<640x64xf32, #tpu.memory_space<vmem>>, vector<1x16xf32>,
      %get3A_833 = vector.shape_cast %get3A_832 : vector<1x16xf32> to vector<16xf32>
      %add3A_834 = arith.addf %add3A_825, %get3A_833 : vector<16xf32>
      %mul3A_835 = vector.broadcast %scan3A_99 : f32 to vector<16xf32>
      %mul3A_836 = arith.mulf %add3A_834, %mul3A_835 : vector<16xf32>
      %swap3A_837 = arith.index_cast %scan3A_107 : i32 to index
      %swap3A_838 = arith.constant 48 : index
      %swap3A_839 = tpu.vector_load %arg7[%swap3A_837, %swap3A_838] {strides = array<i32>} : memref<32x64xf32, #tpu.memory_space<vmem>>, vector<1x16xf32>,
      %swap3A_840 = vector.shape_cast %swap3A_839 : vector<1x16xf32> to vector<16xf32>
      %swap3A_841 = vector.shape_cast %mul3A_836 : vector<16xf32> to vector<1x16xf32>
      tpu.vector_store %arg7[%swap3A_837, %swap3A_838], %swap3A_841 {strides = array<i32>} : memref<32x64xf32, #tpu.memory_space<vmem>>, vector<1x16xf32>,
    }
    %scan3A_104 = arith.constant 32 : i32
    %mul3A_105 = arith.constant 32 : i32
    %mul3A_106 = arith.muli %add3A, %mul3A_105 : i32
    "tpu.region"() ({
      %run_scoped3A = tpu.sem_alloc : memref<!tpu.dma_semaphore, #tpu.memory_space<semaphore_mem>>
      %dma_start3A_107 = arith.constant 0 : i32
      %dma_start3A_108 = tpu.memref_slice %arg4[%mul3A_106, %dma_start3A_107] : memref<1024x64xf32, #tpu.memory_space<hbm>> -> memref<32x64xf32, #tpu.memory_space<hbm>>
      %dma_start3A_109 = arith.constant 0 : i32
      %dma_start3A_110 = tpu.memref_slice %arg4[%mul3A_106, %dma_start3A_109] : memref<1024x64xf32, #tpu.memory_space<hbm>> -> memref<32x64xf32, #tpu.memory_space<hbm>>
      tpu.enqueue_dma source(%arg7 : memref<32x64xf32, #tpu.memory_space<vmem>>) target(%dma_start3A_110 : memref<32x64xf32, #tpu.memory_space<hbm>>) target_semaphore(%run_scoped3A : memref<!tpu.dma_semaphore, #tpu.memory_space<semaphore_mem>>)
      %dma_wait3A_111 = arith.constant 0 : i32
      %dma_wait3A_112 = tpu.memref_slice %arg4[%mul3A_106, %dma_wait3A_111] : memref<1024x64xf32, #tpu.memory_space<hbm>> -> memref<32x64xf32, #tpu.memory_space<hbm>>
      %dma_wait3A_113 = arith.constant 0 : i32
      %dma_wait3A_114 = tpu.memref_slice %arg4[%mul3A_106, %dma_wait3A_113] : memref<1024x64xf32, #tpu.memory_space<hbm>> -> memref<32x64xf32, #tpu.memory_space<hbm>>
      tpu.wait_dma2 semaphore(%run_scoped3A : memref<!tpu.dma_semaphore, #tpu.memory_space<semaphore_mem>>) src(%arg7 : memref<32x64xf32, #tpu.memory_space<vmem>>) dst(%dma_wait3A_114 : memref<32x64xf32, #tpu.memory_space<hbm>>)
      tpu.yield
    }) : () -> ()
    return
  }
}

module attributes {stable_mosaic.version = 14 : i64} {
  func.func @_p1_body(%arg0: i32, %arg1: memref<32x65xbf16, #tpu.memory_space<vmem>>, %arg2: memref<65x100000xbf16, #tpu.memory_space<vmem>>, %arg3: memref<32x1xf32, #tpu.memory_space<vmem>>) attributes {dimension_semantics = [#tpu.dimension_semantics<arbitrary>], iteration_bounds = array<i64: 32>, scalar_prefetch = 0 : i64, scratch_operands = 0 : i64, tpu.core_type = #tpu.core_type<tc>, window_params = [{transform_indices = @transform_0, window_bounds = array<i64: 32, 65>}, {pipeline_mode = #tpu.pipeline_mode<synchronous>, transform_indices = @transform_1, window_bounds = array<i64: 65, 100000>}, {transform_indices = @transform_2, window_bounds = array<i64: 32, 1>}]} {
    %get3A = arith.constant 0 : index
    %get3A_0 = arith.constant 0 : index
    %get3A_1 = vector.load %arg1[%get3A, %get3A_0] : memref<32x65xbf16, #tpu.memory_space<vmem>>, vector<32x65xbf16>
    %get3A_2 = arith.constant 0 : index
    %get3A_3 = arith.constant 0 : index
    %get3A_4 = vector.load %arg2[%get3A_2, %get3A_3] : memref<65x100000xbf16, #tpu.memory_space<vmem>>, vector<65x100000xbf16>
    %dot_general3A = arith.constant dense<0.000000e+00> : vector<32x100000xf32>
    %dot_general3A_5 = tpu.matmul %get3A_1, %get3A_4, %dot_general3A {dimension_numbers = #tpu.dot_dimension_numbers<[1], [0], [0], [1], [0, 0, 1, 1], [], []>, transpose_lhs_hint = false} : vector<32x65xbf16>, vector<65x100000xbf16>, vector<32x100000xf32> -> vector<32x100000xf32>
    %exp23A = math.exp2 %dot_general3A_5 : vector<32x100000xf32>
    %reduce_sum3A = arith.constant dense<0.000000e+00> : vector<32xf32>
    %reduce_sum3A_6 = vector.multi_reduction <add>, %exp23A, %reduce_sum3A [1] : vector<32x100000xf32> to vector<32xf32>
    %broadcast_in_dim3A = vector.shape_cast %reduce_sum3A_6 : vector<32xf32> to vector<32x1xf32>
    %swap3A = arith.constant 0 : index
    %swap3A_7 = arith.constant 0 : index
    %swap3A_8 = vector.load %arg3[%swap3A, %swap3A_7] : memref<32x1xf32, #tpu.memory_space<vmem>>, vector<32x1xf32>
    tpu.vector_store %arg3[%swap3A, %swap3A_7], %broadcast_in_dim3A {strides = array<i32>} : memref<32x1xf32, #tpu.memory_space<vmem>>, vector<32x1xf32>,
    return
  }
  func.func @transform_0(%arg0: i32) -> (i32, i32) {
    %c0_i32 = arith.constant 0 : i32
    %c0_i32_0 = arith.constant 0 : i32
    return %arg0, %c0_i32 : i32, i32
  }
  func.func @transform_1(%arg0: i32) -> (i32, i32) {
    %c0_i32 = arith.constant 0 : i32
    %c0_i32_0 = arith.constant 0 : i32
    %c0_i32_1 = arith.constant 0 : i32
    return %c0_i32, %c0_i32_0 : i32, i32
  }
  func.func @transform_2(%arg0: i32) -> (i32, i32) {
    %c0_i32 = arith.constant 0 : i32
    %c0_i32_0 = arith.constant 0 : i32
    return %arg0, %c0_i32 : i32, i32
  }
}

module attributes {stable_mosaic.version = 14 : i64} {
  func.func @_p2_body(%arg0: i32, %arg1: memref<32x65xbf16, #tpu.memory_space<vmem>>, %arg2: memref<65x100000xbf16, #tpu.memory_space<vmem>>, %arg3: memref<32x1xf32, #tpu.memory_space<vmem>>, %arg4: memref<32x100000xf32, #tpu.memory_space<vmem>>) attributes {dimension_semantics = [#tpu.dimension_semantics<arbitrary>], iteration_bounds = array<i64: 32>, scalar_prefetch = 0 : i64, scratch_operands = 0 : i64, tpu.core_type = #tpu.core_type<tc>, window_params = [{transform_indices = @transform_0, window_bounds = array<i64: 32, 65>}, {pipeline_mode = #tpu.pipeline_mode<synchronous>, transform_indices = @transform_1, window_bounds = array<i64: 65, 100000>}, {transform_indices = @transform_2, window_bounds = array<i64: 32, 1>}, {transform_indices = @transform_3, window_bounds = array<i64: 32, 100000>}]} {
    %get3A = arith.constant 0 : index
    %get3A_0 = arith.constant 0 : index
    %get3A_1 = vector.load %arg3[%get3A, %get3A_0] : memref<32x1xf32, #tpu.memory_space<vmem>>, vector<32x1xf32>
    %log3A = math.log %get3A_1 : vector<32x1xf32>
    %log3A_2 = arith.constant 2.000000e+00 : f32
    %log3A_3 = math.log %log3A_2 : f32
    %div3A = vector.broadcast %log3A_3 : f32 to vector<32x1xf32>
    %div3A_4 = arith.divf %log3A, %div3A : vector<32x1xf32>
    %neg3A = arith.constant 0.000000e+00 : f32
    %neg3A_5 = vector.broadcast %neg3A : f32 to vector<32x1xf32>
    %neg3A_6 = arith.subf %neg3A_5, %div3A_4 : vector<32x1xf32>
    %get3A_7 = arith.constant 0 : index
    %get3A_8 = arith.constant 0 : index
    %get3A_9 = vector.load %arg1[%get3A_7, %get3A_8] : memref<32x65xbf16, #tpu.memory_space<vmem>>, vector<32x65xbf16>
    %get3A_10 = arith.constant 0 : index
    %get3A_11 = arith.constant 0 : index
    %get3A_12 = vector.load %arg2[%get3A_10, %get3A_11] : memref<65x100000xbf16, #tpu.memory_space<vmem>>, vector<65x100000xbf16>
    %dot_general3A = arith.constant dense<0.000000e+00> : vector<32x100000xf32>
    %dot_general3A_13 = tpu.matmul %get3A_9, %get3A_12, %dot_general3A {dimension_numbers = #tpu.dot_dimension_numbers<[1], [0], [0], [1], [0, 0, 1, 1], [], []>, transpose_lhs_hint = false} : vector<32x65xbf16>, vector<65x100000xbf16>, vector<32x100000xf32> -> vector<32x100000xf32>
    %add3A = vector.broadcast %neg3A_6 : vector<32x1xf32> to vector<32x100000xf32>
    %add3A_14 = arith.addf %dot_general3A_13, %add3A : vector<32x100000xf32>
    %exp23A = math.exp2 %add3A_14 : vector<32x100000xf32>
    %swap3A = arith.constant 0 : index
    %swap3A_15 = arith.constant 0 : index
    %swap3A_16 = vector.load %arg4[%swap3A, %swap3A_15] : memref<32x100000xf32, #tpu.memory_space<vmem>>, vector<32x100000xf32>
    tpu.vector_store %arg4[%swap3A, %swap3A_15], %exp23A {strides = array<i32>} : memref<32x100000xf32, #tpu.memory_space<vmem>>, vector<32x100000xf32>,
    return
  }
  func.func @transform_0(%arg0: i32) -> (i32, i32) {
    %c0_i32 = arith.constant 0 : i32
    %c0_i32_0 = arith.constant 0 : i32
    return %arg0, %c0_i32 : i32, i32
  }
  func.func @transform_1(%arg0: i32) -> (i32, i32) {
    %c0_i32 = arith.constant 0 : i32
    %c0_i32_0 = arith.constant 0 : i32
    %c0_i32_1 = arith.constant 0 : i32
    return %c0_i32, %c0_i32_0 : i32, i32
  }
  func.func @transform_2(%arg0: i32) -> (i32, i32) {
    %c0_i32 = arith.constant 0 : i32
    %c0_i32_0 = arith.constant 0 : i32
    return %arg0, %c0_i32 : i32, i32
  }
  func.func @transform_3(%arg0: i32) -> (i32, i32) {
    %c0_i32 = arith.constant 0 : i32
    %c0_i32_0 = arith.constant 0 : i32
    return %arg0, %c0_i32 : i32, i32
  }
}

</mosaic_0001>

<sc_bundles>
// kernel: kernel.5.cloned.1.call-start
scs
__scs_entry_jumppad:
0x0: {  	(pc) =	sbr.rel $0x88, $3  }
0x1: {  	(tag) =	ssettag $0x0;
	lr =	simm.s32 $0x1  }
0x2: {  	[smem:$0x3F9D] =	sst lr;
	_ =	strace $0xD0000000  }
0x3: {  	_ = 	snop  }
0x4: {  	_ = 	snop  }
0x5: {  	_ = 	snop  }
0x6: {  	_ = 	snop  }
0x7: {  	_ = 	snop  }
__scs_overlays_trampoline_lowered:
0x8: {  	[smem:$0x3FAC] =	sst s0  }
0x9: {  	[smem:$0x3FAD] =	sst s1  }
0xa: {  	[smem:$0x3FAE] =	sst s2  }
0xb: {  	[smem:$0x3FAF] =	sst s3  }
0xc: {  	[smem:$0x3FB0] =	sst s4  }
0xd: {  	[smem:$0x3FB1] =	sst s5  }
0xe: {  	[smem:$0x3FB2] =	sst s6  }
0xf: {  	[smem:$0x3FB3] =	sst s7  }
0x10: {  	[smem:$0x3FB4] =	sst s8  }
0x11: {  	[smem:$0x3FB5] =	sst s9;
	s0 =	simm.s32 @!p0 $0x0  }
0x12: {  	s1 =	sld [smem:$0x3F9B];
	s0 =	simm.s32 @p0 $0x1  }
0x13: {  	[smem:$0x3FB6] =	sst s0;
	s0 =	simm.s32 @!p1 $0x0  }
0x14: {  	s2 =	sld [smem:$0x3F9A];
	s0 =	simm.s32 @p1 $0x1  }
0x15: {  	[smem:$0x3FB7] =	sst s0;
	s0 =	simm.s32 @!p2 $0x0  }
0x16: {  	s3 =	sld [smem:$0x3FDB];
	s0 =	simm.s32 @p2 $0x1  }
0x17: {  	s4 =	simm.s32 $0x1BF5;
	[smem:$0x3FB9] =	sst s0  }
0x18: {  	s0 =	sld [smem:$0x3F9C];
	_ =	swait.ge [sflag:s4], $0x0  }
0x19: {  	s7 =	sld [smem:$0x3F9D]  }
0x1a: {  	s8 =	sadd.s32 $0xFFFFE003, lr  }
0x1b: {  	s9 =	sadd.s32 $0xFFFFFEF7, lr;
	s5 =	simm.s32 $0xFFFFFFFF;
	p2 =	slt.u32 s8, $0xFFFFF086  }
0x1c: {  	p1 =	slt.u32 s9, $0xF7A;
	s5 =	simm.s32 @!p2 $0x0  }
0x1d: {  	s5 =	simm.s32 @p1 $0x1;
	p0 =	seq.s32 s7, s2  }
0x1e: {  	s7 =	smul.u32 @!p0 $0xF7A, s2;
	p2 =	seq.s32 @!p0 s5, $0x0  }
0x1f: {  	s9 =	smul.u32 $0xF7A, s1;
	s8 =	simm.s32 @!p0 $0x1BF5;
	p2 =	por !p2, p0  }
0x20: {  	[sflag:s8] =	ssyncset.s32 @!p0 $0xFFFFF086;
	s6 =	sadd.s32 @!p0 s3, s7;
	s7 =	simm.s32 @!p0 $0x108  }
0x21: {  	s3 =	sadd.s32 s3, s9;
	s6 =	sadd.s32 @!p0 $0x88, s6;
	s7 =	simm.s32 @p2 $0x1082  }
0x22: {  	[simem:s7], [sflag:s8] =	dma.local @!p0 [hbm:s6], $0xF7A  }
0x23: {  	s9 =	sor.u32 $0xD0000000, s2;
	s6 =	simm.s32 $0x108;
	_ =	swait.ge @!p0 [sflag:s8], $0x0  }
0x24: {  	s3 =	sadd.s32 $0x88, s3;
	s6 =	simm.s32 @!p1 $0x1082;
	[sflag:s4] =	ssyncset.s32 $0xFFFFF086  }
0x25: {  	[simem:s6], [sflag:s4] =	dma.local [hbm:s3], $0xF7A  }
0x26: {  	[smem:$0x3F9D] =	sst s1;
	(tag) =	ssettag s2;
	_ =	strace s9  }
0x27: {  	s1 =	sld [smem:$0x3FAD]  }
0x28: {  	s2 =	sld [smem:$0x3FAE]  }
0x29: {  	s4 =	sld [smem:$0x3FB0]  }
0x2a: {  	p0 =	seq.s32 s5, $0x0;
	s5 =	sld [smem:$0x3FB1]  }
0x2b: {  	s6 =	sld [smem:$0x3FB2]  }
0x2c: {  	s7 =	sld [smem:$0x3FB3]  }
0x2d: {  	s3 =	simm.s32 $0x108;
	s8 =	sld [smem:$0x3FB4]  }
0x2e: {  	s3 =	simm.s32 @!p0 $0x1082;
	s9 =	sld [smem:$0x3FB5]  }
0x2f: {  	lr =	sadd.s32 s0, s3;
	s0 =	sld [smem:$0x3FAC]  }
0x30: {  	s3 =	sld [smem:$0x3FAF]  }
0x31: {  	[smem:$0x3FB8] =	sst s10  }
0x32: {  	s10 =	sld [smem:$0x3FB6];
	_ =	sdelay $0x3  }
0x33: {  	p0 =	seq.s32 s10, $0x1;
	s10 =	sld [smem:$0x3FB8];
	_ =	sdelay $0x3  }
0x34: {  	[smem:$0x3FB8] =	sst s10  }
0x35: {  	s10 =	sld [smem:$0x3FB7];
	_ =	sdelay $0x3  }
0x36: {  	p1 =	seq.s32 s10, $0x1;
	s10 =	sld [smem:$0x3FB8];
	_ =	sdelay $0x3  }
0x37: {  	[smem:$0x3FB8] =	sst s10  }
0x38: {  	s10 =	sld [smem:$0x3FB9]  }
0x39: {  	_ = 	snop;
	(pc) =	sbr.ind lr, $3  }
0x3a: {  	_ = 	snop  }
0x3b: {  	_ = 	snop  }
0x3c: {  	p2 =	seq.s32 s10, $0x1;
	s10 =	sld [smem:$0x3FB8]  }
0x3d: {  	_ =	shalt  }
0x3e: {  	_ =	shalt  }
0x3f: {  	_ =	shalt  }
0x40: {  	_ =	shalt  }
0x41: {  	_ =	shalt  }
0x42: {  	_ =	shalt  }
0x43: {  	_ =	shalt  }
0x44: {  	_ =	shalt  }
0x45: {  	_ =	shalt  }
0x46: {  	_ =	shalt  }
0x47: {  	_ =	shalt  }
0x48: {  	_ =	shalt  }
0x49: {  	_ =	shalt  }
0x4a: {  	_ =	shalt  }
0x4b: {  	_ =	shalt  }
0x4c: {  	_ =	shalt  }
0x4d: {  	_ =	shalt  }
0x4e: {  	_ =	shalt  }
0x4f: {  	_ =	shalt  }
0x50: {  	_ =	shalt  }
0x51: {  	_ =	shalt  }
0x52: {  	_ =	shalt  }
0x53: {  	_ =	shalt  }
0x54: {  	_ =	shalt  }
0x55: {  	_ =	shalt  }
0x56: {  	_ =	shalt  }
0x57: {  	_ =	shalt  }
0x58: {  	_ =	shalt  }
0x59: {  	_ =	shalt  }
0x5a: {  	_ =	shalt  }
0x5b: {  	_ =	shalt  }
0x5c: {  	_ =	shalt  }
0x5d: {  	_ =	shalt  }
0x5e: {  	_ =	shalt  }
0x5f: {  	_ =	shalt  }
0x60: {  	_ =	shalt  }
0x61: {  	_ =	shalt  }
0x62: {  	_ =	shalt  }
0x63: {  	_ =	shalt  }
0x64: {  	_ =	shalt  }
0x65: {  	_ =	shalt  }
0x66: {  	_ =	shalt  }
0x67: {  	_ =	shalt  }
0x68: {  	_ =	shalt  }
0x69: {  	_ =	shalt  }
0x6a: {  	_ =	shalt  }
0x6b: {  	_ =	shalt  }
0x6c: {  	_ =	shalt  }
0x6d: {  	_ =	shalt  }
0x6e: {  	_ =	shalt  }
0x6f: {  	_ =	shalt  }
0x70: {  	_ =	shalt  }
0x71: {  	_ =	shalt  }
0x72: {  	_ =	shalt  }
0x73: {  	_ =	shalt  }
0x74: {  	_ =	shalt  }
0x75: {  	_ =	shalt  }
0x76: {  	_ =	shalt  }
0x77: {  	_ =	shalt  }
0x78: {  	_ =	shalt  }
0x79: {  	_ =	shalt  }
0x7a: {  	_ =	shalt  }
0x7b: {  	_ =	shalt  }
0x7c: {  	_ =	shalt  }
0x7d: {  	_ =	shalt  }
0x7e: {  	_ =	shalt  }
0x7f: {  	_ =	shalt  }
0x80: {  	_ =	shalt  }
0x81: {  	_ =	shalt  }
0x82: {  	_ =	shalt  }
0x83: {  	_ =	shalt  }
0x84: {  	_ =	shalt  }
0x85: {  	_ =	shalt  }
0x86: {  	_ =	shalt  }
0x87: {  	_ =	shalt  }
.Lfunc_end0:
.L_simem_size_0:
called_computation_lowered:
.L_overlay_start_0:
0x88: {  	s2 =	sld [smem:$0x3FD9]  }
0x89: {  	s3 =	sld [smem:$0x3FFE];
	_ =	sdelay $0x1  }
0x8a: {  	s1 =	srdreg.scid  }
0x8b: {  	s0 =	sand.u32 $0x1, s1  }
0x8c: {  	s17 =	sshll.u32 s0, $0xA;
	s2 =	sadd.s32 s3, s2  }
0x8d: {  	s2 =	sadd.s32 s2, s17  }
0x8e: {  	[smem:$0x3FC4] =	sst s2  }
0x8f: {  	_ = 	snop  }
0x90: {  	s2 =	sld [smem:$0x3FD0];
	(tm) =	ssettm $0x1  }
0x91: {  	s18 =	sld [smem:$0x3FFB];
	_ =	sdelay $0x3  }
0x92: {  	_ =	strace s18  }
0x93: {  	s3 =	sld [smem:$0x3FFC];
	_ =	sdelay $0x3  }
0x94: {  	_ =	strace s3  }
0x95: {  	s3 =	sld [smem:$0x3FFD];
	_ =	sdelay $0x3  }
0x96: {  	_ =	strace s3  }
0x97: {  	_ =	strace $0x8FFFFFFF  }
0x98: {  	s19 =	sld [smem:$0x3FDB];
	_ =	sdelay $0x1  }
0x99: {  	s4 =	simm.s32 $_scs_section_size  }
0x9a: {  	s5 =	simm.s32 $_size__tile_overlayer_lowered;
	s6 =	simm.s32 $_tile_overlayer_lowered  }
0x9b: {  	s22 =	simm.s32 $0x1BFF;
	s21 =	sshll.u32 s6, $0x1;
	s3 =	sadd.s32 s4, s19  }
0x9c: {  	s7 =	simm.s32 $0x0;
	s20 =	sshll.u32 s5, $0x1;
	s5 =	sadd.s32 s21, s3  }
0x9d: {  	[timem:s7], [sflag:s22] =	dma.local [hbm:s5], s20  }
0x9e: {  	_ =	swait.ge [sflag:s22], s20  }
0x9f: {  	s4 =	ssub.s32 $0x0, s20;
	[sflag:s22] =	ssyncset.done $0x0  }
0xa0: {  	[sflag:s22] =	ssyncadd.s32 s4;
	_ =	sdelay $0x1  }
0xa1: {  	s23 =	simm.s32 $0x1B8B  }
0xa2: {  	_ =	swait.ge [sflag:s23], $0x1  }
0xa3: {  	[sflag:s23] =	ssyncset.done $0x0  }
0xa4: {  	s25 =	simm.s32 $0x1B8E;
	s24 =	sld [smem:$0x3FFE];
	[sflag:s23] =	ssyncadd.s32 $0xFFFFFFFF  }
0xa5: {  	s26 =	simm.s32 $execute0_lowered;
	[smem:$0x3FD2] =	sst s25  }
0xa6: {  	s5 =	sshll.u32 s26, $0x1;
	_ =	strace $0x80000046;
	[dreg:$0x1] =	wrdreg $0xFFFFFFFF  }
0xa7: {  	s28 =	simm.s32 $_size_execute0_lowered;
	s3 =	sadd.s32 s3, s5;
	[dreg:$0x0] =	wrdreg $0x0  }
0xa8: {  	s5 =	sshll.u32 s28, $0x1;
	[dreg:$0x2] =	wrdreg s3  }
0xa9: {  	[dreg:$0x3] =	wrdreg s5  }
0xaa: {  	[dreg:$0x4] =	wrdreg $0xC0  }
0xab: {  	_ =	task [dreg:s7], $0x5FFFF  }
0xac: {  	[dreg:$0x1] =	wrdreg $0xFFFFFFFF  }
0xad: {  	[dreg:$0x0] =	wrdreg $0x60  }
0xae: {  	[dreg:$0x2] =	wrdreg s24  }
0xaf: {  	[dreg:$0x3] =	wrdreg s2  }
0xb0: {  	[dreg:$0x4] =	wrdreg $0x9  }
0xb1: {  	_ =	task.clear_ibuf [dreg:s7], $0x5FFFF;
	_ =	strace $0x90000046  }
0xb2: {  	s29 =	simm.s32 $0x9;
	_ =	strace $0x80000048  }
0xb3: {  	_ =	swait.ge [sflag:s29], $0x1  }
0xb4: {  	[sflag:s29] =	ssyncadd.s32 $0xFFFFFFFF  }
0xb5: {  	_ =	strace $0x90000048  }
0xb6: {  	_ =	sfence  }
0xb7: {  	s30 =	sld [smem:$0x0];
	_ =	sdelay $0x2  }
0xb8: {  	s31 =	sshll.u32 s1, $0xD;
	s1 =	sshrl.u32 s1, $0x2  }
0xb9: {  	s3 =	sand.u32 $0x4000, s31;
	s1 =	sadd.s32 s1, s30  }
0xba: {  	s0 =	sor.u32 s3, s0;
	s1 =	sshll.u32 s1, $0x11  }
0xbb: {  	s0 =	sor.u32 s1, s0  }
0xbc: {  	s0 =	sadd.s32 $0x8F2B, s0  }
0xbd: {  	[sflag:s0] =	ssyncadd.remote.s32 $0x1  }
0xbe: {  	_ =	sfence.sel $0xFFFF  }
0xbf: {  	[dreg:$0x0] =	wrdreg $0xFFFFFFFF;
	(pc) =	sbr.abs _section_cstart, $3  }
0xc0: {  	[dreg:$0x1] =	wrdreg $0xFFFFFFFF  }
0xc1: {  	_ =	task.clear_ibuf [dreg:s7], $0x2FFFF;
	_ =	strace $0x9FFFFFFF  }
0xc2: {  	(tm) =	ssettm $0x7FFFFFFF  }
0xc3: {  	_ =	shalt  }
tec
execute0_lowered:
.L_overlay_start_1:
0x0: {  	(tag) =	ssettag $0x1  }
0x1: {  	s3 =	rddreg [dreg:$0x0];
	s1 =	srdreg.scid  }
0x2: {  	s0 =	stileid.u32;
	s5 =	rddreg [dreg:$0x1]  }
0x3: {  	s2 =	simm.s32 $0x0;
	s9 =	simm.s32 $0x280;
	s10 =	simm.s32 $0x2280  }
0x4: {  	s11 =	simm.s32 $0x100;
	s12 =	simm.s32 $0x4280;
	s13 =	simm.s32 $0x180  }
0x5: {  	s14 =	simm.s32 $0x6280;
	s15 =	simm.s32 $0x200;
	s16 =	simm.s32 $0x8280  }
0x6: {  	s17 =	simm.s32 $0x1;
	s18 =	simm.s32 $0xA280;
	s19 =	simm.s32 $0x0  }
0x7: {  	s4 =	sand.u32 $0x1, s1;
	s6 =	sshll.u32 s0, $0x1;
	s1 =	rddreg [dreg:$0x2]  }
0x8: {  	[smem:$0x7FF] =	sst s2;
	s6 =	sor.u32 s4, s6;
	s4 =	ssub.s32 $0x2, s4  }
0x9: {  	s7 =	smul.u32 $0x50, s6;
	s8 =	sshrl.u32 s4, $0x1;
	s6 =	sshll.u32 s6, $0x8  }
0xa: {  	_ =	strace $0x80000047;
	s8 =	ssub.s32 s4, s8;
	s5 =	sadd.s32 s5, s6  }
0xb: {  	s7 =	sadd.s32 s7, s3;
	s3 =	sadd.s32 $0x1000, s3;
	s6 =	smax.u32 s8, $0x1  }
0xc: {  	s8 =	simm.s32 $0x80;
	s4 =	sadd.s32 $0x600, s7;
	s7 =	simm.s32 $0x2  }
.LBB2_1:
0xd: {  	[tilespmem:s2], [sflag:$0x2] =	stream.linear.gather [hbm4b:s4+s2], $0x280, $0x38;
	[tilespmem:$0xAA80] =	vst v63  }
0xe: {  	_ =	swait.ge [sflag:s7], $0x280  }
0xf: {  	[sflag:s7] =	ssyncset.done $0x0  }
0x10: {  	[sflag:s7] =	ssyncadd.s32 $0xFFFFFD80  }
0x11: {  	[tilespmem:s9], [sflag:$0x1] =	stream.indirect.gather [hbm4b:s3+s8], $0x40, s2, s8, $0xb8;
	[tilespmem:$0xAA80] =	vst v63  }
0x12: {  	_ = 	snop  }
0x13: {  	[tilespmem:s10], [sflag:$0x1] =	stream.indirect.gather [hbm4b:s3+s8], $0x40, s8, s8, $0xb8;
	[tilespmem:$0xAA80] =	vst v63  }
0x14: {  	_ = 	snop  }
0x15: {  	[tilespmem:s12], [sflag:$0x1] =	stream.indirect.gather [hbm4b:s3+s8], $0x40, s11, s8, $0xb8;
	[tilespmem:$0xAA80] =	vst v63  }
0x16: {  	_ = 	snop  }
0x17: {  	[tilespmem:s14], [sflag:$0x1] =	stream.indirect.gather [hbm4b:s3+s8], $0x40, s13, s8, $0xb8;
	[tilespmem:$0xAA80] =	vst v63  }
0x18: {  	_ = 	snop  }
0x19: {  	[tilespmem:s16], [sflag:$0x1] =	stream.indirect.gather [hbm4b:s3+s8], $0x40, s15, s8, $0xb8;
	[tilespmem:$0xAA80] =	vst v63  }
0x1a: {  	_ =	swait.ge [sflag:s17], $0x2000  }
0x1b: {  	[sflag:s17] =	ssyncset.done $0x0  }
0x1c: {  	[sflag:s17] =	ssyncadd.s32 $0xFFFFE000  }
0x1d: {  	_ =	swait.ge [sflag:s17], $0x2000  }
0x1e: {  	[sflag:s17] =	ssyncset.done $0x0  }
0x1f: {  	[sflag:s17] =	ssyncadd.s32 $0xFFFFE000  }
0x20: {  	_ =	swait.ge [sflag:s17], $0x2000  }
0x21: {  	[sflag:s17] =	ssyncset.done $0x0  }
0x22: {  	[sflag:s17] =	ssyncadd.s32 $0xFFFFE000  }
0x23: {  	_ =	swait.ge [sflag:s17], $0x2000  }
0x24: {  	[sflag:s17] =	ssyncset.done $0x0  }
0x25: {  	[sflag:s17] =	ssyncadd.s32 $0xFFFFE000  }
0x26: {  	_ =	swait.ge [sflag:s17], $0x2000  }
0x27: {  	[sflag:s17] =	ssyncset.done $0x0  }
0x28: {  	s20 =	simm.s32 $0x500;
	[sflag:s17] =	ssyncadd.s32 $0xFFFFE000  }
0x29: {  	v0 =	vld [tilespmem:s20+$0xFFFFFDC0]  }
0x2a: {  	v1 =	vld [tilespmem:s20+$0xFFFFFD80];
	_ =	sdelay $0x1  }
0x2b: {  	v2 =	vld [tilespmem:s20+$0xFFFFFE00];
	_ =	sdelay $0x1  }
0x2c: {  	v3 =	vld [tilespmem:s20+$0xFFFFFE40]  }
0x2d: {  	v0 =	vadd.f32 v0, v1  }
0x2e: {  	v1 =	vld [tilespmem:s20+$0xFFFFFE80]  }
0x2f: {  	v0 =	vadd.f32 v2, v0  }
0x30: {  	v2 =	vld [tilespmem:s20+$0xFFFFFEC0]  }
0x31: {  	v0 =	vadd.f32 v3, v0  }
0x32: {  	v3 =	vld [tilespmem:s20+$0xFFFFFF00]  }
0x33: {  	v0 =	vadd.f32 v1, v0  }
0x34: {  	v1 =	vld [tilespmem:s20+$0xFFFFFF40]  }
0x35: {  	v0 =	vadd.f32 v2, v0  }
0x36: {  	v2 =	vld [tilespmem:s20+$0xFFFFFF80]  }
0x37: {  	v0 =	vadd.f32 v3, v0  }
0x38: {  	v3 =	vld [tilespmem:s20+$0xFFFFFFC0]  }
0x39: {  	v0 =	vadd.f32 v1, v0  }
0x3a: {  	v1 =	vld [tilespmem:s20+$0x0]  }
0x3b: {  	v0 =	vadd.f32 v2, v0  }
0x3c: {  	v2 =	vld [tilespmem:s20+$0x40]  }
0x3d: {  	v0 =	vadd.f32 v3, v0  }
0x3e: {  	v3 =	vld [tilespmem:s20+$0x80]  }
0x3f: {  	v0 =	vadd.f32 v1, v0  }
0x40: {  	v1 =	vld [tilespmem:s20+$0xC0]  }
0x41: {  	v0 =	vadd.f32 v2, v0  }
0x42: {  	v2 =	vld [tilespmem:s20+$0x100]  }
0x43: {  	v0 =	vadd.f32 v3, v0  }
0x44: {  	v3 =	vld [tilespmem:s20+$0x140]  }
0x45: {  	v0 =	vadd.f32 v1, v0  }
0x46: {  	v1 =	vld [tilespmem:s20+$0x180]  }
0x47: {  	v0 =	vadd.f32 v2, v0  }
0x48: {  	v2 =	vld [tilespmem:s20+$0x1C0]  }
0x49: {  	v0 =	vadd.f32 v3, v0  }
0x4a: {  	v3 =	vld [tilespmem:s20+$0x200]  }
0x4b: {  	v0 =	vadd.f32 v1, v0  }
0x4c: {  	v1 =	vld [tilespmem:s20+$0x240]  }
0x4d: {  	v0 =	vadd.f32 v2, v0;
	_ =	sdelay $0x1  }
0x4e: {  	v0 =	vadd.f32 v3, v0;
	_ =	sdelay $0x1  }
0x4f: {  	v0 =	vadd.f32 v1, v0;
	_ =	sdelay $0x1  }
0x50: {  	v0 =	vmul.f32 $5.000000070e-02, v0  }
0x51: {  	s21 =	simm.s32 $0x0  }
0x52: {  	[tilespmem:s21+$0xA280] =	vst v0  }
0x53: {  	v0 =	vld [tilespmem:s20+$0xFFFFFD90]  }
0x54: {  	v1 =	vld [tilespmem:s20+$0xFFFFFDD0];
	_ =	sdelay $0x1  }
0x55: {  	v2 =	vld [tilespmem:s20+$0xFFFFFE10];
	_ =	sdelay $0x1  }
0x56: {  	v3 =	vld [tilespmem:s20+$0xFFFFFE50]  }
0x57: {  	v0 =	vadd.f32 v1, v0  }
0x58: {  	v1 =	vld [tilespmem:s20+$0xFFFFFE90]  }
0x59: {  	v0 =	vadd.f32 v2, v0  }
0x5a: {  	v2 =	vld [tilespmem:s20+$0xFFFFFED0]  }
0x5b: {  	v0 =	vadd.f32 v3, v0  }
0x5c: {  	v3 =	vld [tilespmem:s20+$0xFFFFFF10]  }
0x5d: {  	v0 =	vadd.f32 v1, v0  }
0x5e: {  	v1 =	vld [tilespmem:s20+$0xFFFFFF50]  }
0x5f: {  	v0 =	vadd.f32 v2, v0  }
0x60: {  	v2 =	vld [tilespmem:s20+$0xFFFFFF90]  }
0x61: {  	v0 =	vadd.f32 v3, v0  }
0x62: {  	v3 =	vld [tilespmem:s20+$0xFFFFFFD0]  }
0x63: {  	v0 =	vadd.f32 v1, v0  }
0x64: {  	v1 =	vld [tilespmem:s20+$0x10]  }
0x65: {  	v0 =	vadd.f32 v2, v0  }
0x66: {  	v2 =	vld [tilespmem:s20+$0x50]  }
0x67: {  	v0 =	vadd.f32 v3, v0  }
0x68: {  	v3 =	vld [tilespmem:s20+$0x90]  }
0x69: {  	v0 =	vadd.f32 v1, v0  }
0x6a: {  	v1 =	vld [tilespmem:s20+$0xD0]  }
0x6b: {  	v0 =	vadd.f32 v2, v0  }
0x6c: {  	v2 =	vld [tilespmem:s20+$0x110]  }
0x6d: {  	v0 =	vadd.f32 v3, v0  }
0x6e: {  	v3 =	vld [tilespmem:s20+$0x150]  }
0x6f: {  	v0 =	vadd.f32 v1, v0  }
0x70: {  	v1 =	vld [tilespmem:s20+$0x190]  }
0x71: {  	v0 =	vadd.f32 v2, v0  }
0x72: {  	v2 =	vld [tilespmem:s20+$0x1D0]  }
0x73: {  	v0 =	vadd.f32 v3, v0  }
0x74: {  	v3 =	vld [tilespmem:s20+$0x210]  }
0x75: {  	v0 =	vadd.f32 v1, v0  }
0x76: {  	v1 =	vld [tilespmem:s20+$0x250]  }
0x77: {  	v0 =	vadd.f32 v2, v0;
	_ =	sdelay $0x1  }
0x78: {  	v0 =	vadd.f32 v3, v0;
	_ =	sdelay $0x1  }
0x79: {  	v0 =	vadd.f32 v1, v0;
	_ =	sdelay $0x1  }
0x7a: {  	v0 =	vmul.f32 $5.000000070e-02, v0;
	_ =	sdelay $0x1  }
0x7b: {  	[tilespmem:s21+$0xA290] =	vst v0  }
0x7c: {  	v0 =	vld [tilespmem:s20+$0xFFFFFDA0]  }
0x7d: {  	v1 =	vld [tilespmem:s20+$0xFFFFFDE0];
	_ =	sdelay $0x1  }
0x7e: {  	v2 =	vld [tilespmem:s20+$0xFFFFFE20];
	_ =	sdelay $0x1  }
0x7f: {  	v3 =	vld [tilespmem:s20+$0xFFFFFE60]  }
0x80: {  	v0 =	vadd.f32 v1, v0  }
0x81: {  	v1 =	vld [tilespmem:s20+$0xFFFFFEA0]  }
0x82: {  	v0 =	vadd.f32 v2, v0  }
0x83: {  	v2 =	vld [tilespmem:s20+$0xFFFFFEE0]  }
0x84: {  	v0 =	vadd.f32 v3, v0  }
0x85: {  	v3 =	vld [tilespmem:s20+$0xFFFFFF20]  }
0x86: {  	v0 =	vadd.f32 v1, v0  }
0x87: {  	v1 =	vld [tilespmem:s20+$0xFFFFFF60]  }
0x88: {  	v0 =	vadd.f32 v2, v0  }
0x89: {  	v2 =	vld [tilespmem:s20+$0xFFFFFFA0]  }
0x8a: {  	v0 =	vadd.f32 v3, v0  }
0x8b: {  	v3 =	vld [tilespmem:s20+$0xFFFFFFE0]  }
0x8c: {  	v0 =	vadd.f32 v1, v0  }
0x8d: {  	v1 =	vld [tilespmem:s20+$0x20]  }
0x8e: {  	v0 =	vadd.f32 v2, v0  }
0x8f: {  	v2 =	vld [tilespmem:s20+$0x60]  }
0x90: {  	v0 =	vadd.f32 v3, v0  }
0x91: {  	v3 =	vld [tilespmem:s20+$0xA0]  }
0x92: {  	v0 =	vadd.f32 v1, v0  }
0x93: {  	v1 =	vld [tilespmem:s20+$0xE0]  }
0x94: {  	v0 =	vadd.f32 v2, v0  }
0x95: {  	v2 =	vld [tilespmem:s20+$0x120]  }
0x96: {  	v0 =	vadd.f32 v3, v0  }
0x97: {  	v3 =	vld [tilespmem:s20+$0x160]  }
0x98: {  	v0 =	vadd.f32 v1, v0  }
0x99: {  	v1 =	vld [tilespmem:s20+$0x1A0]  }
0x9a: {  	v0 =	vadd.f32 v2, v0  }
0x9b: {  	v2 =	vld [tilespmem:s20+$0x1E0]  }
0x9c: {  	v0 =	vadd.f32 v3, v0  }
0x9d: {  	v3 =	vld [tilespmem:s20+$0x220]  }
0x9e: {  	v0 =	vadd.f32 v1, v0  }
0x9f: {  	v1 =	vld [tilespmem:s20+$0x260]  }
0xa0: {  	v0 =	vadd.f32 v2, v0;
	_ =	sdelay $0x1  }
0xa1: {  	v0 =	vadd.f32 v3, v0;
	_ =	sdelay $0x1  }
0xa2: {  	v0 =	vadd.f32 v1, v0;
	_ =	sdelay $0x1  }
0xa3: {  	v0 =	vmul.f32 $5.000000070e-02, v0;
	_ =	sdelay $0x1  }
0xa4: {  	[tilespmem:s21+$0xA2A0] =	vst v0  }
0xa5: {  	v0 =	vld [tilespmem:s20+$0xFFFFFDB0]  }
0xa6: {  	v1 =	vld [tilespmem:s20+$0xFFFFFDF0];
	_ =	sdelay $0x1  }
0xa7: {  	v2 =	vld [tilespmem:s20+$0xFFFFFE30];
	_ =	sdelay $0x1  }
0xa8: {  	v3 =	vld [tilespmem:s20+$0xFFFFFE70]  }
0xa9: {  	v0 =	vadd.f32 v1, v0  }
0xaa: {  	v1 =	vld [tilespmem:s20+$0xFFFFFEB0]  }
0xab: {  	v0 =	vadd.f32 v2, v0  }
0xac: {  	v2 =	vld [tilespmem:s20+$0xFFFFFEF0]  }
0xad: {  	v0 =	vadd.f32 v3, v0  }
0xae: {  	v3 =	vld [tilespmem:s20+$0xFFFFFF30]  }
0xaf: {  	v0 =	vadd.f32 v1, v0  }
0xb0: {  	v1 =	vld [tilespmem:s20+$0xFFFFFF70]  }
0xb1: {  	v0 =	vadd.f32 v2, v0  }
0xb2: {  	v2 =	vld [tilespmem:s20+$0xFFFFFFB0]  }
0xb3: {  	v0 =	vadd.f32 v3, v0  }
0xb4: {  	v3 =	vld [tilespmem:s20+$0xFFFFFFF0]  }
0xb5: {  	v0 =	vadd.f32 v1, v0  }
0xb6: {  	v1 =	vld [tilespmem:s20+$0x30]  }
0xb7: {  	v0 =	vadd.f32 v2, v0  }
0xb8: {  	v2 =	vld [tilespmem:s20+$0x70]  }
0xb9: {  	v0 =	vadd.f32 v3, v0  }
0xba: {  	v3 =	vld [tilespmem:s20+$0xB0]  }
0xbb: {  	v0 =	vadd.f32 v1, v0  }
0xbc: {  	v1 =	vld [tilespmem:s20+$0xF0]  }
0xbd: {  	v0 =	vadd.f32 v2, v0  }
0xbe: {  	v2 =	vld [tilespmem:s20+$0x130]  }
0xbf: {  	v0 =	vadd.f32 v3, v0  }
0xc0: {  	v3 =	vld [tilespmem:s20+$0x170]  }
0xc1: {  	v0 =	vadd.f32 v1, v0  }
0xc2: {  	v1 =	vld [tilespmem:s20+$0x1B0]  }
0xc3: {  	v0 =	vadd.f32 v2, v0  }
0xc4: {  	v2 =	vld [tilespmem:s20+$0x1F0]  }
0xc5: {  	v0 =	vadd.f32 v3, v0;
	_ =	sdelay $0x1  }
0xc6: {  	v3 =	vld [tilespmem:s20+$0x230];
	v0 =	vadd.f32 v1, v0;
	_ =	sdelay $0x1  }
0xc7: {  	v1 =	vadd.f32 v2, v0;
	v0 =	vld [tilespmem:s20+$0x270];
	_ =	sdelay $0x2  }
0xc8: {  	s22 =	simm.s32 $0x100;
	v1 =	vadd.f32 v3, v1  }
.LBB2_2:
0xc9: {  	p0 =	sne.s32 s22, $0x1F00  }
0xca: {  	s20 =	sadd.s32 $0x500, s20;
	s23 =	smov.u32 s22;
	s22 =	sadd.s32 $0x100, s22;
	v0 =	vadd.f32 v0, v1  }
0xcb: {  	_ = 	snop  }
0xcc: {  	v0 =	vmul.f32 $5.000000070e-02, v0;
	_ =	sdelay $0x1  }
0xcd: {  	[tilespmem:s21+$0xA2B0] =	vst v0  }
0xce: {  	v0 =	vld [tilespmem:s20+$0xFFFFFDC0]  }
0xcf: {  	v1 =	vld [tilespmem:s20+$0xFFFFFD80];
	_ =	sdelay $0x1  }
0xd0: {  	v2 =	vld [tilespmem:s20+$0xFFFFFE00];
	_ =	sdelay $0x1  }
0xd1: {  	v3 =	vld [tilespmem:s20+$0xFFFFFE40]  }
0xd2: {  	v0 =	vadd.f32 v0, v1  }
0xd3: {  	v1 =	vld [tilespmem:s20+$0xFFFFFE80]  }
0xd4: {  	v0 =	vadd.f32 v2, v0  }
0xd5: {  	v2 =	vld [tilespmem:s20+$0xFFFFFEC0]  }
0xd6: {  	v0 =	vadd.f32 v3, v0  }
0xd7: {  	v3 =	vld [tilespmem:s20+$0xFFFFFF00]  }
0xd8: {  	v0 =	vadd.f32 v1, v0  }
0xd9: {  	v1 =	vld [tilespmem:s20+$0xFFFFFF40]  }
0xda: {  	v0 =	vadd.f32 v2, v0  }
0xdb: {  	v2 =	vld [tilespmem:s20+$0xFFFFFF80]  }
0xdc: {  	v0 =	vadd.f32 v3, v0  }
0xdd: {  	v3 =	vld [tilespmem:s20+$0xFFFFFFC0]  }
0xde: {  	v0 =	vadd.f32 v1, v0  }
0xdf: {  	v1 =	vld [tilespmem:s20+$0x0]  }
0xe0: {  	v0 =	vadd.f32 v2, v0  }
0xe1: {  	v2 =	vld [tilespmem:s20+$0x40]  }
0xe2: {  	v0 =	vadd.f32 v3, v0  }
0xe3: {  	v3 =	vld [tilespmem:s20+$0x80]  }
0xe4: {  	v0 =	vadd.f32 v1, v0  }
0xe5: {  	v1 =	vld [tilespmem:s20+$0xC0]  }
0xe6: {  	v0 =	vadd.f32 v2, v0  }
0xe7: {  	v2 =	vld [tilespmem:s20+$0x100]  }
0xe8: {  	v0 =	vadd.f32 v3, v0  }
0xe9: {  	v3 =	vld [tilespmem:s20+$0x140]  }
0xea: {  	v0 =	vadd.f32 v1, v0  }
0xeb: {  	v1 =	vld [tilespmem:s20+$0x180]  }
0xec: {  	v0 =	vadd.f32 v2, v0  }
0xed: {  	v2 =	vld [tilespmem:s20+$0x1C0]  }
0xee: {  	v0 =	vadd.f32 v3, v0  }
0xef: {  	v3 =	vld [tilespmem:s20+$0x200]  }
0xf0: {  	v0 =	vadd.f32 v1, v0  }
0xf1: {  	v1 =	vld [tilespmem:s20+$0x240]  }
0xf2: {  	v0 =	vadd.f32 v2, v0;
	_ =	sdelay $0x1  }
0xf3: {  	v0 =	vadd.f32 v3, v0;
	_ =	sdelay $0x1  }
0xf4: {  	v0 =	vadd.f32 v1, v0;
	_ =	sdelay $0x1  }
0xf5: {  	v0 =	vmul.f32 $5.000000070e-02, v0  }
0xf6: {  	s21 =	sshra.s32 s23, $0x2  }
0xf7: {  	[tilespmem:s21+$0xA280] =	vst v0  }
0xf8: {  	v0 =	vld [tilespmem:s20+$0xFFFFFD90]  }
0xf9: {  	v1 =	vld [tilespmem:s20+$0xFFFFFDD0];
	_ =	sdelay $0x1  }
0xfa: {  	v2 =	vld [tilespmem:s20+$0xFFFFFE10];
	_ =	sdelay $0x1  }
0xfb: {  	v3 =	vld [tilespmem:s20+$0xFFFFFE50]  }
0xfc: {  	v0 =	vadd.f32 v1, v0  }
0xfd: {  	v1 =	vld [tilespmem:s20+$0xFFFFFE90]  }
0xfe: {  	v0 =	vadd.f32 v2, v0  }
0xff: {  	v2 =	vld [tilespmem:s20+$0xFFFFFED0]  }
0x100: {  	v0 =	vadd.f32 v3, v0  }
0x101: {  	v3 =	vld [tilespmem:s20+$0xFFFFFF10]  }
0x102: {  	v0 =	vadd.f32 v1, v0  }
0x103: {  	v1 =	vld [tilespmem:s20+$0xFFFFFF50]  }
0x104: {  	v0 =	vadd.f32 v2, v0  }
0x105: {  	v2 =	vld [tilespmem:s20+$0xFFFFFF90]  }
0x106: {  	v0 =	vadd.f32 v3, v0  }
0x107: {  	v3 =	vld [tilespmem:s20+$0xFFFFFFD0]  }
0x108: {  	v0 =	vadd.f32 v1, v0  }
0x109: {  	v1 =	vld [tilespmem:s20+$0x10]  }
0x10a: {  	v0 =	vadd.f32 v2, v0  }
0x10b: {  	v2 =	vld [tilespmem:s20+$0x50]  }
0x10c: {  	v0 =	vadd.f32 v3, v0  }
0x10d: {  	v3 =	vld [tilespmem:s20+$0x90]  }
0x10e: {  	v0 =	vadd.f32 v1, v0  }
0x10f: {  	v1 =	vld [tilespmem:s20+$0xD0]  }
0x110: {  	v0 =	vadd.f32 v2, v0  }
0x111: {  	v2 =	vld [tilespmem:s20+$0x110]  }
0x112: {  	v0 =	vadd.f32 v3, v0  }
0x113: {  	v3 =	vld [tilespmem:s20+$0x150]  }
0x114: {  	v0 =	vadd.f32 v1, v0  }
0x115: {  	v1 =	vld [tilespmem:s20+$0x190]  }
0x116: {  	v0 =	vadd.f32 v2, v0  }
0x117: {  	v2 =	vld [tilespmem:s20+$0x1D0]  }
0x118: {  	v0 =	vadd.f32 v3, v0  }
0x119: {  	v3 =	vld [tilespmem:s20+$0x210]  }
0x11a: {  	v0 =	vadd.f32 v1, v0  }
0x11b: {  	v1 =	vld [tilespmem:s20+$0x250]  }
0x11c: {  	v0 =	vadd.f32 v2, v0;
	_ =	sdelay $0x1  }
0x11d: {  	v0 =	vadd.f32 v3, v0;
	_ =	sdelay $0x1  }
0x11e: {  	v0 =	vadd.f32 v1, v0;
	_ =	sdelay $0x1  }
0x11f: {  	v0 =	vmul.f32 $5.000000070e-02, v0;
	_ =	sdelay $0x1  }
0x120: {  	[tilespmem:s21+$0xA290] =	vst v0  }
0x121: {  	v0 =	vld [tilespmem:s20+$0xFFFFFDA0]  }
0x122: {  	v1 =	vld [tilespmem:s20+$0xFFFFFDE0];
	_ =	sdelay $0x1  }
0x123: {  	v2 =	vld [tilespmem:s20+$0xFFFFFE20];
	_ =	sdelay $0x1  }
0x124: {  	v3 =	vld [tilespmem:s20+$0xFFFFFE60]  }
0x125: {  	v0 =	vadd.f32 v1, v0  }
0x126: {  	v1 =	vld [tilespmem:s20+$0xFFFFFEA0]  }
0x127: {  	v0 =	vadd.f32 v2, v0  }
0x128: {  	v2 =	vld [tilespmem:s20+$0xFFFFFEE0]  }
0x129: {  	v0 =	vadd.f32 v3, v0  }
0x12a: {  	v3 =	vld [tilespmem:s20+$0xFFFFFF20]  }
0x12b: {  	v0 =	vadd.f32 v1, v0  }
0x12c: {  	v1 =	vld [tilespmem:s20+$0xFFFFFF60]  }
0x12d: {  	v0 =	vadd.f32 v2, v0  }
0x12e: {  	v2 =	vld [tilespmem:s20+$0xFFFFFFA0]  }
0x12f: {  	v0 =	vadd.f32 v3, v0  }
0x130: {  	v3 =	vld [tilespmem:s20+$0xFFFFFFE0]  }
0x131: {  	v0 =	vadd.f32 v1, v0  }
0x132: {  	v1 =	vld [tilespmem:s20+$0x20]  }
0x133: {  	v0 =	vadd.f32 v2, v0  }
0x134: {  	v2 =	vld [tilespmem:s20+$0x60]  }
0x135: {  	v0 =	vadd.f32 v3, v0  }
0x136: {  	v3 =	vld [tilespmem:s20+$0xA0]  }
0x137: {  	v0 =	vadd.f32 v1, v0  }
0x138: {  	v1 =	vld [tilespmem:s20+$0xE0]  }
0x139: {  	v0 =	vadd.f32 v2, v0  }
0x13a: {  	v2 =	vld [tilespmem:s20+$0x120]  }
0x13b: {  	v0 =	vadd.f32 v3, v0  }
0x13c: {  	v3 =	vld [tilespmem:s20+$0x160]  }
0x13d: {  	v0 =	vadd.f32 v1, v0  }
0x13e: {  	v1 =	vld [tilespmem:s20+$0x1A0]  }
0x13f: {  	v0 =	vadd.f32 v2, v0  }
0x140: {  	v2 =	vld [tilespmem:s20+$0x1E0]  }
0x141: {  	v0 =	vadd.f32 v3, v0  }
0x142: {  	v3 =	vld [tilespmem:s20+$0x220]  }
0x143: {  	v0 =	vadd.f32 v1, v0  }
0x144: {  	v1 =	vld [tilespmem:s20+$0x260]  }
0x145: {  	v0 =	vadd.f32 v2, v0;
	_ =	sdelay $0x1  }
0x146: {  	v0 =	vadd.f32 v3, v0;
	_ =	sdelay $0x1  }
0x147: {  	v0 =	vadd.f32 v1, v0;
	_ =	sdelay $0x1  }
0x148: {  	v0 =	vmul.f32 $5.000000070e-02, v0;
	_ =	sdelay $0x1  }
0x149: {  	[tilespmem:s21+$0xA2A0] =	vst v0  }
0x14a: {  	v0 =	vld [tilespmem:s20+$0xFFFFFDB0]  }
0x14b: {  	v1 =	vld [tilespmem:s20+$0xFFFFFDF0]  }
0x14c: {  	v2 =	vld [tilespmem:s20+$0xFFFFFE30]  }
0x14d: {  	v3 =	vld [tilespmem:s20+$0xFFFFFE70]  }
0x14e: {  	v4 =	vld [tilespmem:s20+$0xFFFFFEB0]  }
0x14f: {  	v5 =	vld [tilespmem:s20+$0xFFFFFEF0]  }
0x150: {  	v0 =	vadd.f32 v1, v0;
	v1 =	vld [tilespmem:s20+$0xFFFFFF30]  }
0x151: {  	v6 =	vld [tilespmem:s20+$0xFFFFFF70]  }
0x152: {  	v0 =	vadd.f32 v2, v0;
	v2 =	vld [tilespmem:s20+$0xFFFFFFB0]  }
0x153: {  	v7 =	vld [tilespmem:s20+$0xFFFFFFF0]  }
0x154: {  	v0 =	vadd.f32 v3, v0;
	v3 =	vld [tilespmem:s20+$0x30]  }
0x155: {  	v8 =	vld [tilespmem:s20+$0x70]  }
0x156: {  	v0 =	vadd.f32 v4, v0;
	v4 =	vld [tilespmem:s20+$0xB0]  }
0x157: {  	v9 =	vld [tilespmem:s20+$0xF0]  }
0x158: {  	v0 =	vadd.f32 v5, v0;
	v5 =	vld [tilespmem:s20+$0x130]  }
0x159: {  	v10 =	vld [tilespmem:s20+$0x170]  }
0x15a: {  	v0 =	vadd.f32 v1, v0;
	v1 =	vld [tilespmem:s20+$0x1B0]  }
0x15b: {  	v11 =	vld [tilespmem:s20+$0x1F0]  }
0x15c: {  	v6 =	vadd.f32 v6, v0;
	v12 =	vld [tilespmem:s20+$0x230]  }
0x15d: {  	v0 =	vld [tilespmem:s20+$0x270]  }
0x15e: {  	v2 =	vadd.f32 v2, v6;
	_ =	sdelay $0x1  }
0x15f: {  	v2 =	vadd.f32 v7, v2;
	_ =	sdelay $0x1  }
0x160: {  	v2 =	vadd.f32 v3, v2;
	_ =	sdelay $0x1  }
0x161: {  	v2 =	vadd.f32 v8, v2;
	_ =	sdelay $0x1  }
0x162: {  	v2 =	vadd.f32 v4, v2;
	_ =	sdelay $0x1  }
0x163: {  	v2 =	vadd.f32 v9, v2;
	_ =	sdelay $0x1  }
0x164: {  	v2 =	vadd.f32 v5, v2;
	_ =	sdelay $0x1  }
0x165: {  	v2 =	vadd.f32 v10, v2;
	_ =	sdelay $0x1  }
.Ltmp0:
0x166: {  	v1 =	vadd.f32 v1, v2;
	(pc) =	sbr.rel @p0 .LBB2_2-.Ltmp0, $3  }
0x167: {  	_ = 	snop  }
0x168: {  	v1 =	vadd.f32 v11, v1;
	_ =	sdelay $0x1  }
0x169: {  	v1 =	vadd.f32 v12, v1  }
0x16a: {  	_ = 	snop  }
0x16b: {  	v0 =	vadd.f32 v0, v1;
	_ =	sdelay $0x1  }
0x16c: {  	s19 =	sadd.s32 $0x1, s19;
	v0 =	vmul.f32 $5.000000070e-02, v0  }
0x16d: {  	p0 =	sne.s32 s19, s6  }
.Ltmp1:
0x16e: {  	[tilespmem:s21+$0xA2B0] =	vst v0;
	(pc) =	sbr.rel @p0 .LBB2_1-.Ltmp1, $4  }
0x16f: {  	[hbm4b:s5+s2] =	stream.linear.scatter [tilespmem:s18], [sflag:$0x2], $0x800, $0x38;
	[tilespmem:$0xAA80] =	vst v63  }
0x170: {  	_ =	swait.ge [sflag:s7], $0x800  }
0x171: {  	[sflag:s7] =	ssyncset.done $0x0  }
0x172: {  	[sflag:s7] =	ssyncadd.s32 $0xFFFFF800  }
0x173: {  	_ =	sfence.sel $0x180000  }
0x174: {  	[bflag:$0x0] =	sbarrier.arrive $0xFFFF  }
0x175: {  	p0 =	sne.s32 s0, $0x0;
	_ =	strace $0x90000047  }
0x176: {  	s0 =	sadd.s32 @!p0 $0x100000, s1;
	[bflag:$0x2] =	sbarrier.arrive $0xFFFF  }
0x177: {  	[sflag:s0] =	ssyncadd.tile.s32 @!p0 $0x1;
	_ =	shalt  }
.Lfunc_end2:
_tile_overlayer_lowered:
.L_overlay_start_2:
0x178: {  	(tag) =	ssettag $0x2  }
0x179: {  	s0 =	rddreg [dreg:$0x0];
	s2 =	stileid.u32  }
0x17a: {  	s1 =	rddreg [dreg:$0x1];
	p0 =	sne.s32 s2, $0x0  }
0x17b: {  	s3 =	rddreg [dreg:$0x2];
	[bflag:$0x3] =	sbarrier.arrive $0xFFFF;
	s2 =	simm.s32 @!p0 $0x1C02  }
0x17c: {  	[timem:s3], [sflag:s2] =	dma.local @!p0 [hbm:s0], s1  }
0x17d: {  	s0 =	simm.s32 @!p0 $0x2  }
0x17e: {  	_ =	swait.ge @!p0 [sflag:s0], s1  }
0x17f: {  	s1 =	ssub.s32 @!p0 $0x0, s1;
	[sflag:s0] =	ssyncset.done @!p0 $0x0  }
0x180: {  	[sflag:s0] =	ssyncadd.s32 @!p0 s1  }
0x181: {  	[bflag:$0x3] =	sbarrier.arrive $0xFFFF  }
0x182: {  	_ =	shalt  }

</sc_bundles>
